<compile_context>
chip_gen: v7x
topology: tpu7x:2x2x1
jax: 0.10.2.dev20260603
libtpu: 0.0.44.dev20260713+nightly
codegen_flags: <defaults>
</compile_context>

<pallas_src>
import dataclasses
import functools

import jax
import jax.numpy as jnp
from jax import lax
from jax.experimental import pallas as pl
from jax.experimental.pallas import tpu as pltpu
from jax.experimental.pallas import tpu_sc as plsc

N = 10000
E = 320000
D = 128
DOUT = 16

NW = 32
R = 320
NPAD = NW * R
FLUSH = 1024
STAGE = FLUSH + 160
EPAD = (E // FLUSH + 2) * FLUSH
BLK = 16000
G = 128

_MESH = plsc.VectorSubcoreMesh(core_axis_name="c", subcore_axis_name="s")

_SC_PARAMS = pltpu.CompilerParams()
if "needs_layout_passes" in pltpu.CompilerParams.__dataclass_fields__:
    _SC_PARAMS = dataclasses.replace(_SC_PARAMS, needs_layout_passes=False)


def _wid():
    return lax.axis_index("s") * 2 + lax.axis_index("c")



DUMMY = 511


def _scan_body(src_hbm, dst_hbm, list_hbm, cnt_hbm,
               svb0, dvb0, svb1, dvb1, stage, cntv, sem0, sem1):
    wid = _wid()
    lo = wid * R
    nblk = E // BLK
    bufs = ((svb0, dvb0, sem0), (svb1, dvb1, sem1))

    def start_load(b, sv_b, dv_b, sem_b):
        pltpu.make_async_copy(src_hbm.at[pl.ds(b * BLK, BLK)], sv_b, sem_b).start()
        pltpu.make_async_copy(dst_hbm.at[pl.ds(b * BLK, BLK)], dv_b, sem_b).start()

    def wait_load(b, sv_b, dv_b, sem_b):
        pltpu.make_async_copy(src_hbm.at[pl.ds(b * BLK, BLK)], sv_b, sem_b).wait()
        pltpu.make_async_copy(dst_hbm.at[pl.ds(b * BLK, BLK)], dv_b, sem_b).wait()

    start_load(0, *bufs[0])

    def process_block(b, sv_b, dv_b, carry):
        def group8(jj, carry):
            f, nf = carry
            masks, packeds, pcs = [], [], []
            for u in range(8):
                j = jj * 8 + u
                dv = dv_b[pl.ds(j * 16, 16)]
                sv = sv_b[pl.ds(j * 16, 16)]
                dl = dv - lo
                m = dl.astype(jnp.uint32) < jnp.uint32(R)
                masks.append(m)
                packeds.append((sv << 9) | dl)
                pcs.append(plsc.all_reduce_population_count(m))
            for u in range(8):
                plsc.store_compressed(stage.at[pl.ds(f, 16)], packeds[u],
                                      mask=masks[u])
                f = f + pcs[u][0]
            do = f >= FLUSH

            @pl.when(do)
            def _():
                pltpu.sync_copy(stage.at[pl.ds(0, FLUSH)],
                                list_hbm.at[wid, pl.ds(nf * FLUSH, FLUSH)])
                for t in range(9):
                    stage[pl.ds(t * 16, 16)] = stage[pl.ds(FLUSH + t * 16, 16)]

            f = jnp.where(do, f - FLUSH, f)
            nf = nf + do.astype(jnp.int32)
            return f, nf

        return lax.fori_loop(0, BLK // 128, group8, carry)

    def block_pair(bb, carry):
        for p in range(2):
            b = bb * 2 + p

            @pl.when(b < nblk)
            def _():
                wait_load(b, *bufs[p])

                @pl.when(b + 1 < nblk)
                def _():
                    start_load(b + 1, *bufs[1 - p])

            carry = lax.cond(b < nblk,
                             lambda c: process_block(b, bufs[p][0], bufs[p][1], c),
                             lambda c: c, carry)
        return carry

    f, nf = lax.fori_loop(0, (nblk + 1) // 2, block_pair,
                          (jnp.int32(0), jnp.int32(0)))

    iota16 = lax.iota(jnp.int32, 16)

    @pl.loop(0, STAGE // 16)
    def _(j):
        g = j * 16
        sl = pl.ds(g, 16)
        stage[sl] = jnp.where(g + iota16 >= f, DUMMY, stage[sl])

    pltpu.sync_copy(stage.at[pl.ds(0, FLUSH)],
                    list_hbm.at[wid, pl.ds(nf * FLUSH, FLUSH)])
    cntv[...] = jnp.full((16,), nf * FLUSH + f, jnp.int32)
    pltpu.sync_copy(cntv, cnt_hbm.at[wid])


@jax.jit
def _scan(src, dst):
    kern = pl.kernel(
        _scan_body,
        out_type=(jax.ShapeDtypeStruct((NW, EPAD), jnp.int32),
                  jax.ShapeDtypeStruct((NW, 16), jnp.int32)),
        mesh=_MESH,
        scratch_types=[
            pltpu.VMEM((BLK,), jnp.int32),
            pltpu.VMEM((BLK,), jnp.int32),
            pltpu.VMEM((BLK,), jnp.int32),
            pltpu.VMEM((BLK,), jnp.int32),
            pltpu.VMEM((STAGE,), jnp.int32),
            pltpu.VMEM((16,), jnp.int32),
            pltpu.SemaphoreType.DMA,
            pltpu.SemaphoreType.DMA,
        ],
        compiler_params=_SC_PARAMS,
    )
    return kern(src, dst)



NBUF = 4


def _segmax_body(list_hbm, cnt_hbm, hp_hbm, agg_hbm,
                 table, rows, idxs, dsts, lchs, cntv, sems, lsems):
    wid = _wid()
    zeros16 = jnp.zeros((16,), jnp.float32)

    @pl.loop(0, R + 1)
    def _(r):
        for k in range(8):
            table[r, pl.ds(k * 16, 16)] = zeros16

    pltpu.sync_copy(cnt_hbm.at[wid], cntv)
    cnt = jnp.max(cntv[...])
    nch = (cnt + G - 1) // G

    def start_list(ch, p):
        pltpu.make_async_copy(list_hbm.at[wid, pl.ds(ch * G, G)],
                              lchs[p], lsems[p]).start()

    def unpack_gather(ch, p):
        pltpu.make_async_copy(list_hbm.at[wid, pl.ds(ch * G, G)],
                              lchs[p], lsems[p]).wait()
        for j in range(G // 16):
            sl = pl.ds(j * 16, 16)
            v = lchs[p][sl]
            idxs[p][sl] = jnp.minimum(lax.shift_right_logical(v, 9), N - 1)
            dsts[p][sl] = jnp.minimum(v & 511, R)
        pltpu.make_async_copy(hp_hbm.at[idxs[p]], rows[p], sems[p]).start()

    def rmw(p):
        pltpu.make_async_copy(hp_hbm.at[idxs[p]], rows[p], sems[p]).wait()
        rows_b, dst_b = rows[p], dsts[p]

        @pl.loop(0, G // 16)
        def _(jg):
            dv16 = dst_b[pl.ds(jg * 16, 16)]
            for l in range(16):
                d = dv16[l]
                e = jg * 16 + l
                rv = [rows_b[e, pl.ds(k * 16, 16)] for k in range(8)]
                tv = [table[d, pl.ds(k * 16, 16)] for k in range(8)]
                for k in range(8):
                    table[d, pl.ds(k * 16, 16)] = jnp.maximum(tv[k], rv[k])

    for q in range(3):
        @pl.when(q < nch)
        def _(q=q):
            start_list(q, q)

    for q in range(2):
        @pl.when(q < nch)
        def _(q=q):
            unpack_gather(q, q)

    def chunk_quad(it, _):
        for p in range(NBUF):
            ch = it * NBUF + p

            @pl.when(ch < nch)
            def _(p=p, ch=ch):
                @pl.when(ch + 3 < nch)
                def _():
                    start_list(ch + 3, (p + 3) % NBUF)

                @pl.when(ch + 2 < nch)
                def _():
                    unpack_gather(ch + 2, (p + 2) % NBUF)

                rmw(p)
        return 0

    lax.fori_loop(0, (nch + NBUF - 1) // NBUF, chunk_quad, 0)
    pltpu.sync_copy(table.at[pl.ds(0, R)], agg_hbm.at[pl.ds(wid * R, R)])


@jax.jit
def _segmax(lists, counts, hp):
    kern = pl.kernel(
        _segmax_body,
        out_type=jax.ShapeDtypeStruct((NPAD, D), jnp.float32),
        mesh=_MESH,
        scratch_types=[
            pltpu.VMEM((R + 1, D), jnp.float32),
            [pltpu.VMEM((G, D), jnp.float32) for _ in range(NBUF)],
            [pltpu.VMEM((G,), jnp.int32) for _ in range(NBUF)],
            [pltpu.VMEM((G,), jnp.int32) for _ in range(NBUF)],
            [pltpu.VMEM((G,), jnp.int32) for _ in range(NBUF)],
            pltpu.VMEM((16,), jnp.int32),
            [pltpu.SemaphoreType.DMA for _ in range(NBUF)],
            [pltpu.SemaphoreType.DMA for _ in range(NBUF)],
        ],
        compiler_params=_SC_PARAMS,
    )
    return kern(lists, counts, hp)



def _mm(a, w):
    return lax.dot_general(a, w, (((1,), (1,)), ((), ())),
                           preferred_element_type=jnp.float32,
                           precision=lax.Precision.HIGHEST)


def _dense1_body(x_ref, wp_ref, bp_ref, hp_ref):
    hp_ref[...] = jnp.maximum(_mm(x_ref[...], wp_ref[...]) + bp_ref[...], 0.0)


def _dense2_body(x_ref, a1_ref, ws_ref, wn_ref, b_ref, wp2_ref, bp2_ref,
                 h1_ref, hp2_ref):
    h = _mm(x_ref[...], ws_ref[...]) + _mm(a1_ref[...], wn_ref[...]) + b_ref[...]
    h = jnp.where(h >= 0.0, h, 0.01 * h)
    h1_ref[...] = h
    hp2_ref[...] = jnp.maximum(_mm(h, wp2_ref[...]) + bp2_ref[...], 0.0)


def _dense3_body(h1_ref, a2_ref, ws_ref, wn_ref, b_ref, o_ref):
    o_ref[...] = (_mm(h1_ref[...], ws_ref[...]) + _mm(a2_ref[...], wn_ref[...])
                  + b_ref[...])


@jax.jit
def _dense1(x, wp, bp):
    return pl.pallas_call(
        _dense1_body,
        out_shape=jax.ShapeDtypeStruct((N, D), jnp.float32),
    )(x, wp, bp)


@jax.jit
def _dense2(x, a1, ws, wn, b, wp2, bp2):
    return pl.pallas_call(
        _dense2_body,
        out_shape=(jax.ShapeDtypeStruct((N, D), jnp.float32),
                   jax.ShapeDtypeStruct((N, D), jnp.float32)),
    )(x, a1, ws, wn, b, wp2, bp2)


@jax.jit
def _dense3(h1, a2, ws, wn, b):
    return pl.pallas_call(
        _dense3_body,
        out_shape=jax.ShapeDtypeStruct((N, DOUT), jnp.float32),
    )(h1, a2, ws, wn, b)


def kernel(x, edge_index, W_pool1, b_pool1, W_self1, W_neigh1, b1,
           W_pool2, b_pool2, W_self2, W_neigh2, b2):
    src = edge_index[0]
    dst = edge_index[1]
    lists, counts = _scan(src, dst)
    hp1 = _dense1(x, W_pool1, b_pool1.reshape(1, D))
    agg1 = _segmax(lists, counts, hp1)[:N]
    h1, hp2 = _dense2(x, agg1, W_self1, W_neigh1, b1.reshape(1, D),
                      W_pool2, b_pool2.reshape(1, D))
    agg2 = _segmax(lists, counts, hp2)[:N]
    return _dense3(h1, agg2, W_self2, W_neigh2, b2.reshape(1, DOUT))

# --- scband reference (transcript-rebuilt; emitter-appended) ---
"""Pipeline reference for scband-gcn-59657095741934 (READ-ONLY COPY).

The authoritative reference and input builder live on the scoring server;
editing this copy changes nothing except your own understanding.
"""

import jax, jax.numpy as jnp
import numpy as np

N = 10000
E = 320000
D_IN = 128
D_H = 128
D_OUT = 16


def setup_inputs(seed: int = 0) -> dict:
    key = jax.random.key(seed)
    ks = jax.random.split(key, 14)
    x = jax.random.normal(ks[0], (N, D_IN), dtype=jnp.float32)
    edge_index = jax.random.randint(ks[1], (2, E), 0, N, dtype=jnp.int32)
    s_in = 1.0 / np.sqrt(D_IN)
    s_h = 1.0 / np.sqrt(D_H)
    # Layer 1 (SAGEConv pool: in=128 -> out=128)
    W_pool1 = jax.random.normal(ks[2], (D_IN, D_IN), dtype=jnp.float32) * s_in
    b_pool1 = jnp.zeros((D_IN,), dtype=jnp.float32)
    W_self1 = jax.random.normal(ks[3], (D_H, D_IN), dtype=jnp.float32) * s_in
    W_neigh1 = jax.random.normal(ks[4], (D_H, D_IN), dtype=jnp.float32) * s_in
    b1 = jnp.zeros((D_H,), dtype=jnp.float32)
    # Layer 2 (SAGEConv pool: in=128 -> out=16)
    W_pool2 = jax.random.normal(ks[5], (D_H, D_H), dtype=jnp.float32) * s_h
    b_pool2 = jnp.zeros((D_H,), dtype=jnp.float32)
    W_self2 = jax.random.normal(ks[6], (D_OUT, D_H), dtype=jnp.float32) * s_h
    W_neigh2 = jax.random.normal(ks[7], (D_OUT, D_H), dtype=jnp.float32) * s_h
    b2 = jnp.zeros((D_OUT,), dtype=jnp.float32)
    return {
        "x": x, "edge_index": edge_index,
        "W_pool1": W_pool1, "b_pool1": b_pool1, "W_self1": W_self1, "W_neigh1": W_neigh1, "b1": b1,
        "W_pool2": W_pool2, "b_pool2": b_pool2, "W_self2": W_self2, "W_neigh2": W_neigh2, "b2": b2,
    }


def _sage_pool(h, src, dst, n_nodes, W_pool, b_pool, W_self, W_neigh, b):
    # DGL SAGEConv aggregator_type='pool':
    # feat_src = relu(fc_pool(h)); h_neigh = max over in-edges; out = fc_self(h) + fc_neigh(h_neigh) + bias
    hp = jax.nn.relu(h @ W_pool.T + b_pool)
    msgs = jnp.take(hp, src, axis=0)            # gather over edges
    agg = jax.ops.segment_max(msgs, dst, num_segments=n_nodes)  # scatter-max
    cnt = jax.ops.segment_sum(jnp.ones((src.shape[0],), dtype=jnp.float32), dst, num_segments=n_nodes)
    agg = jnp.where(cnt[:, None] > 0, agg, 0.0)  # isolated nodes -> 0 (DGL semantics)
    return h @ W_self.T + agg @ W_neigh.T + b


def reference(x, edge_index, W_pool1, b_pool1, W_self1, W_neigh1, b1, W_pool2, b_pool2, W_self2, W_neigh2, b2):
    src = edge_index[0]
    dst = edge_index[1]
    n = x.shape[0]
    h = _sage_pool(x, src, dst, n, W_pool1, b_pool1, W_self1, W_neigh1, b1)
    h = jax.nn.leaky_relu(h, negative_slope=0.01)
    h = _sage_pool(h, src, dst, n, W_pool2, b_pool2, W_self2, W_neigh2, b2)
    return h

if __name__ == "__main__":
    import jax
    _d = setup_inputs()
    print(jax.jit(kernel)(*tuple(_d.values())))

</pallas_src>

<mosaic_0001>
#map = affine_map<(d0, d1) -> (0)>
#map1 = affine_map<(d0, d1) -> (0, 0)>
module attributes {stable_mosaic.version = 14 : i64} {
  func.func @_scan_body(%arg0: i32, %arg1: i32, %arg2: memref<320000xi32, #tpu.memory_space<hbm>>, %arg3: memref<320000xi32, #tpu.memory_space<hbm>>, %arg4: memref<32x321536xi32, #tpu.memory_space<hbm>>, %arg5: memref<32x16xi32, #tpu.memory_space<hbm>>, %arg6: memref<16000xi32, #tpu.memory_space<vmem>>, %arg7: memref<16000xi32, #tpu.memory_space<vmem>>, %arg8: memref<16000xi32, #tpu.memory_space<vmem>>, %arg9: memref<16000xi32, #tpu.memory_space<vmem>>, %arg10: memref<1184xi32, #tpu.memory_space<vmem>>, %arg11: memref<16xi32, #tpu.memory_space<vmem>>, %arg12: memref<!tpu.dma_semaphore, #tpu.memory_space<semaphore_mem>>, %arg13: memref<!tpu.dma_semaphore, #tpu.memory_space<semaphore_mem>>) attributes {dimension_semantics = [#tpu.dimension_semantics<core_parallel>, #tpu.dimension_semantics<subcore_parallel>], iteration_bounds = array<i64: 2, 16>, scalar_prefetch = 0 : i64, scratch_operands = 8 : i64, tpu.core_type = #tpu.core_type<sc_vector_subcore>, window_params = [{transform_indices = #map}, {transform_indices = #map}, {transform_indices = #map1}, {transform_indices = #map1}]} {
    %mul3A = arith.constant 2 : i32
    %mul3A_0 = arith.muli %arg1, %mul3A : i32
    %add3A = arith.addi %mul3A_0, %arg0 : i32
    %mul3A_1 = arith.constant 320 : i32
    %mul3A_2 = arith.muli %add3A, %mul3A_1 : i32
    %dma_start3A = arith.constant 0 : i32
    %dma_start3A_3 = tpu.memref_slice %arg2[%dma_start3A] : memref<320000xi32, #tpu.memory_space<hbm>> -> memref<16000xi32, #tpu.memory_space<hbm>>
    %dma_start3A_4 = arith.constant 0 : i32
    %dma_start3A_5 = tpu.memref_slice %arg2[%dma_start3A_4] : memref<320000xi32, #tpu.memory_space<hbm>> -> memref<16000xi32, #tpu.memory_space<hbm>>
    tpu.enqueue_dma source(%dma_start3A_5 : memref<16000xi32, #tpu.memory_space<hbm>>) target(%arg6 : memref<16000xi32, #tpu.memory_space<vmem>>) target_semaphore(%arg12 : memref<!tpu.dma_semaphore, #tpu.memory_space<semaphore_mem>>)
    %dma_start3A_6 = arith.constant 0 : i32
    %dma_start3A_7 = tpu.memref_slice %arg3[%dma_start3A_6] : memref<320000xi32, #tpu.memory_space<hbm>> -> memref<16000xi32, #tpu.memory_space<hbm>>
    %dma_start3A_8 = arith.constant 0 : i32
    %dma_start3A_9 = tpu.memref_slice %arg3[%dma_start3A_8] : memref<320000xi32, #tpu.memory_space<hbm>> -> memref<16000xi32, #tpu.memory_space<hbm>>
    tpu.enqueue_dma source(%dma_start3A_9 : memref<16000xi32, #tpu.memory_space<hbm>>) target(%arg7 : memref<16000xi32, #tpu.memory_space<vmem>>) target_semaphore(%arg12 : memref<!tpu.dma_semaphore, #tpu.memory_space<semaphore_mem>>)
    %scan3A = arith.constant 0 : i32
    %scan3A_10 = arith.constant 0 : i32
    %scan3A_11 = arith.constant 0 : i32
    %scan3A_12 = arith.constant 10 : i32
    %scan3A_13 = arith.addi %scan3A_11, %scan3A_12 : i32
    %scan3A_14 = arith.constant 1 : i32
    %scan3A_15:2 = scf.for %scan3A_28 = %scan3A_11 to %scan3A_13 step %scan3A_14 iter_args(%scan3A_29 = %scan3A, %scan3A_30 = %scan3A_10) -> (i32, i32)  : i32 {
      %mul3A_31 = arith.constant 2 : i32
      %mul3A_32 = arith.muli %scan3A_28, %mul3A_31 : i32
      %add3A_33 = arith.constant 0 : i32
      %add3A_34 = arith.addi %mul3A_32, %add3A_33 : i32
      %lt3A = arith.constant 20 : i32
      %lt3A_35 = arith.cmpi slt, %add3A_34, %lt3A : i32
      %convert_element_type3A = arith.extui %lt3A_35 : i1 to i32
      %cond3A = arith.constant 0 : i32
      %cond3A_36 = arith.cmpi ne, %convert_element_type3A, %cond3A : i32
      scf.if %cond3A_36 {
        %mul3A_58 = arith.constant 16000 : i32
        %mul3A_59 = arith.muli %add3A_34, %mul3A_58 : i32
        %dma_wait3A = tpu.memref_slice %arg2[%mul3A_59] : memref<320000xi32, #tpu.memory_space<hbm>> -> memref<16000xi32, #tpu.memory_space<hbm>>
        %dma_wait3A_60 = tpu.memref_slice %arg2[%mul3A_59] : memref<320000xi32, #tpu.memory_space<hbm>> -> memref<16000xi32, #tpu.memory_space<hbm>>
        tpu.wait_dma2 semaphore(%arg12 : memref<!tpu.dma_semaphore, #tpu.memory_space<semaphore_mem>>) src(%dma_wait3A_60 : memref<16000xi32, #tpu.memory_space<hbm>>) dst(%arg6 : memref<16000xi32, #tpu.memory_space<vmem>>)
        %mul3A_61 = arith.constant 16000 : i32
        %mul3A_62 = arith.muli %add3A_34, %mul3A_61 : i32
        %dma_wait3A_63 = tpu.memref_slice %arg3[%mul3A_62] : memref<320000xi32, #tpu.memory_space<hbm>> -> memref<16000xi32, #tpu.memory_space<hbm>>
        %dma_wait3A_64 = tpu.memref_slice %arg3[%mul3A_62] : memref<320000xi32, #tpu.memory_space<hbm>> -> memref<16000xi32, #tpu.memory_space<hbm>>
        tpu.wait_dma2 semaphore(%arg12 : memref<!tpu.dma_semaphore, #tpu.memory_space<semaphore_mem>>) src(%dma_wait3A_64 : memref<16000xi32, #tpu.memory_space<hbm>>) dst(%arg7 : memref<16000xi32, #tpu.memory_space<vmem>>)
        %add3A_65 = arith.constant 1 : i32
        %add3A_66 = arith.addi %add3A_34, %add3A_65 : i32
        %lt3A_67 = arith.constant 20 : i32
        %lt3A_68 = arith.cmpi slt, %add3A_66, %lt3A_67 : i32
        %convert_element_type3A_69 = arith.extui %lt3A_68 : i1 to i32
        %cond3A_70 = arith.constant 0 : i32
        %cond3A_71 = arith.cmpi ne, %convert_element_type3A_69, %cond3A_70 : i32
        scf.if %cond3A_71 {
          %add3A_72 = arith.constant 1 : i32
          %add3A_73 = arith.addi %add3A_34, %add3A_72 : i32
          %mul3A_74 = arith.constant 16000 : i32
          %mul3A_75 = arith.muli %add3A_73, %mul3A_74 : i32
          %dma_start3A_76 = tpu.memref_slice %arg2[%mul3A_75] : memref<320000xi32, #tpu.memory_space<hbm>> -> memref<16000xi32, #tpu.memory_space<hbm>>
          %dma_start3A_77 = tpu.memref_slice %arg2[%mul3A_75] : memref<320000xi32, #tpu.memory_space<hbm>> -> memref<16000xi32, #tpu.memory_space<hbm>>
          tpu.enqueue_dma source(%dma_start3A_77 : memref<16000xi32, #tpu.memory_space<hbm>>) target(%arg8 : memref<16000xi32, #tpu.memory_space<vmem>>) target_semaphore(%arg13 : memref<!tpu.dma_semaphore, #tpu.memory_space<semaphore_mem>>)
          %mul3A_78 = arith.constant 16000 : i32
          %mul3A_79 = arith.muli %add3A_73, %mul3A_78 : i32
          %dma_start3A_80 = tpu.memref_slice %arg3[%mul3A_79] : memref<320000xi32, #tpu.memory_space<hbm>> -> memref<16000xi32, #tpu.memory_space<hbm>>
          %dma_start3A_81 = tpu.memref_slice %arg3[%mul3A_79] : memref<320000xi32, #tpu.memory_space<hbm>> -> memref<16000xi32, #tpu.memory_space<hbm>>
          tpu.enqueue_dma source(%dma_start3A_81 : memref<16000xi32, #tpu.memory_space<hbm>>) target(%arg9 : memref<16000xi32, #tpu.memory_space<vmem>>) target_semaphore(%arg13 : memref<!tpu.dma_semaphore, #tpu.memory_space<semaphore_mem>>)
        } else {
        }
      } else {
      }
      %lt3A_37 = arith.constant 20 : i32
      %lt3A_38 = arith.cmpi slt, %add3A_34, %lt3A_37 : i32
      %convert_element_type3A_39 = arith.extui %lt3A_38 : i1 to i32
      %cond3A_40 = arith.constant 0 : i32
      %cond3A_41 = arith.cmpi ne, %convert_element_type3A_39, %cond3A_40 : i32
      %cond3A_42:2 = scf.if %cond3A_41 -> (i32, i32) {
        %scan3A_58 = arith.constant 0 : i32
        %scan3A_59 = arith.constant 125 : i32
        %scan3A_60 = arith.addi %scan3A_58, %scan3A_59 : i32
        %scan3A_61 = arith.constant 1 : i32
        %scan3A_62:2 = scf.for %scan3A_64 = %scan3A_58 to %scan3A_60 step %scan3A_61 iter_args(%scan3A_65 = %scan3A_29, %scan3A_66 = %scan3A_30) -> (i32, i32)  : i32 {
          %mul3A_67 = arith.constant 8 : i32
          %mul3A_68 = arith.muli %scan3A_64, %mul3A_67 : i32
          %add3A_69 = arith.constant 0 : i32
          %add3A_70 = arith.addi %mul3A_68, %add3A_69 : i32
          %mul3A_71 = arith.constant 16 : i32
          %mul3A_72 = arith.muli %add3A_70, %mul3A_71 : i32
          %get3A = arith.index_cast %mul3A_72 : i32 to index
          %get3A_73 = tpu.vector_load %arg7[%get3A] {strides = array<i32>} : memref<16000xi32, #tpu.memory_space<vmem>>, vector<16xi32>,
          %mul3A_74 = arith.constant 16 : i32
          %mul3A_75 = arith.muli %add3A_70, %mul3A_74 : i32
          %get3A_76 = arith.index_cast %mul3A_75 : i32 to index
          %get3A_77 = tpu.vector_load %arg6[%get3A_76] {strides = array<i32>} : memref<16000xi32, #tpu.memory_space<vmem>>, vector<16xi32>,
          %sub3A = vector.broadcast %mul3A_2 : i32 to vector<16xi32>
          %sub3A_78 = arith.subi %get3A_73, %sub3A : vector<16xi32>
          %lt3A_79 = arith.constant 320 : i32
          %lt3A_80 = vector.broadcast %lt3A_79 : i32 to vector<16xi32>
          %lt3A_81 = arith.cmpi ult, %sub3A_78, %lt3A_80 : vector<16xi32>
          %shift_left3A = arith.constant 9 : i32
          %shift_left3A_82 = vector.broadcast %shift_left3A : i32 to vector<16xi32>
          %shift_left3A_83 = arith.shli %get3A_77, %shift_left3A_82 : vector<16xi32>
          %or3A = arith.ori %shift_left3A_83, %sub3A_78 : vector<16xi32>
          %all_reduce_population_count3A = tpu.all_reduce %lt3A_81 {dim = 0 : i64, kind = #tpu.reduction_kind<sum>} : vector<16xi1> -> vector<16xi32>
          %mul3A_84 = arith.constant 8 : i32
          %mul3A_85 = arith.muli %scan3A_64, %mul3A_84 : i32
          %add3A_86 = arith.constant 1 : i32
          %add3A_87 = arith.addi %mul3A_85, %add3A_86 : i32
          %mul3A_88 = arith.constant 16 : i32
          %mul3A_89 = arith.muli %add3A_87, %mul3A_88 : i32
          %get3A_90 = arith.index_cast %mul3A_89 : i32 to index
          %get3A_91 = tpu.vector_load %arg7[%get3A_90] {strides = array<i32>} : memref<16000xi32, #tpu.memory_space<vmem>>, vector<16xi32>,
          %mul3A_92 = arith.constant 16 : i32
          %mul3A_93 = arith.muli %add3A_87, %mul3A_92 : i32
          %get3A_94 = arith.index_cast %mul3A_93 : i32 to index
          %get3A_95 = tpu.vector_load %arg6[%get3A_94] {strides = array<i32>} : memref<16000xi32, #tpu.memory_space<vmem>>, vector<16xi32>,
          %sub3A_96 = vector.broadcast %mul3A_2 : i32 to vector<16xi32>
          %sub3A_97 = arith.subi %get3A_91, %sub3A_96 : vector<16xi32>
          %lt3A_98 = arith.constant 320 : i32
          %lt3A_99 = vector.broadcast %lt3A_98 : i32 to vector<16xi32>
          %lt3A_100 = arith.cmpi ult, %sub3A_97, %lt3A_99 : vector<16xi32>
          %shift_left3A_101 = arith.constant 9 : i32
          %shift_left3A_102 = vector.broadcast %shift_left3A_101 : i32 to vector<16xi32>
          %shift_left3A_103 = arith.shli %get3A_95, %shift_left3A_102 : vector<16xi32>
          %or3A_104 = arith.ori %shift_left3A_103, %sub3A_97 : vector<16xi32>
          %all_reduce_population_count3A_105 = tpu.all_reduce %lt3A_100 {dim = 0 : i64, kind = #tpu.reduction_kind<sum>} : vector<16xi1> -> vector<16xi32>
          %mul3A_106 = arith.constant 8 : i32
          %mul3A_107 = arith.muli %scan3A_64, %mul3A_106 : i32
          %add3A_108 = arith.constant 2 : i32
          %add3A_109 = arith.addi %mul3A_107, %add3A_108 : i32
          %mul3A_110 = arith.constant 16 : i32
          %mul3A_111 = arith.muli %add3A_109, %mul3A_110 : i32
          %get3A_112 = arith.index_cast %mul3A_111 : i32 to index
          %get3A_113 = tpu.vector_load %arg7[%get3A_112] {strides = array<i32>} : memref<16000xi32, #tpu.memory_space<vmem>>, vector<16xi32>,
          %mul3A_114 = arith.constant 16 : i32
          %mul3A_115 = arith.muli %add3A_109, %mul3A_114 : i32
          %get3A_116 = arith.index_cast %mul3A_115 : i32 to index
          %get3A_117 = tpu.vector_load %arg6[%get3A_116] {strides = array<i32>} : memref<16000xi32, #tpu.memory_space<vmem>>, vector<16xi32>,
          %sub3A_118 = vector.broadcast %mul3A_2 : i32 to vector<16xi32>
          %sub3A_119 = arith.subi %get3A_113, %sub3A_118 : vector<16xi32>
          %lt3A_120 = arith.constant 320 : i32
          %lt3A_121 = vector.broadcast %lt3A_120 : i32 to vector<16xi32>
          %lt3A_122 = arith.cmpi ult, %sub3A_119, %lt3A_121 : vector<16xi32>
          %shift_left3A_123 = arith.constant 9 : i32
          %shift_left3A_124 = vector.broadcast %shift_left3A_123 : i32 to vector<16xi32>
          %shift_left3A_125 = arith.shli %get3A_117, %shift_left3A_124 : vector<16xi32>
          %or3A_126 = arith.ori %shift_left3A_125, %sub3A_119 : vector<16xi32>
          %all_reduce_population_count3A_127 = tpu.all_reduce %lt3A_122 {dim = 0 : i64, kind = #tpu.reduction_kind<sum>} : vector<16xi1> -> vector<16xi32>
          %mul3A_128 = arith.constant 8 : i32
          %mul3A_129 = arith.muli %scan3A_64, %mul3A_128 : i32
          %add3A_130 = arith.constant 3 : i32
          %add3A_131 = arith.addi %mul3A_129, %add3A_130 : i32
          %mul3A_132 = arith.constant 16 : i32
          %mul3A_133 = arith.muli %add3A_131, %mul3A_132 : i32
          %get3A_134 = arith.index_cast %mul3A_133 : i32 to index
          %get3A_135 = tpu.vector_load %arg7[%get3A_134] {strides = array<i32>} : memref<16000xi32, #tpu.memory_space<vmem>>, vector<16xi32>,
          %mul3A_136 = arith.constant 16 : i32
          %mul3A_137 = arith.muli %add3A_131, %mul3A_136 : i32
          %get3A_138 = arith.index_cast %mul3A_137 : i32 to index
          %get3A_139 = tpu.vector_load %arg6[%get3A_138] {strides = array<i32>} : memref<16000xi32, #tpu.memory_space<vmem>>, vector<16xi32>,
          %sub3A_140 = vector.broadcast %mul3A_2 : i32 to vector<16xi32>
          %sub3A_141 = arith.subi %get3A_135, %sub3A_140 : vector<16xi32>
          %lt3A_142 = arith.constant 320 : i32
          %lt3A_143 = vector.broadcast %lt3A_142 : i32 to vector<16xi32>
          %lt3A_144 = arith.cmpi ult, %sub3A_141, %lt3A_143 : vector<16xi32>
          %shift_left3A_145 = arith.constant 9 : i32
          %shift_left3A_146 = vector.broadcast %shift_left3A_145 : i32 to vector<16xi32>
          %shift_left3A_147 = arith.shli %get3A_139, %shift_left3A_146 : vector<16xi32>
          %or3A_148 = arith.ori %shift_left3A_147, %sub3A_141 : vector<16xi32>
          %all_reduce_population_count3A_149 = tpu.all_reduce %lt3A_144 {dim = 0 : i64, kind = #tpu.reduction_kind<sum>} : vector<16xi1> -> vector<16xi32>
          %mul3A_150 = arith.constant 8 : i32
          %mul3A_151 = arith.muli %scan3A_64, %mul3A_150 : i32
          %add3A_152 = arith.constant 4 : i32
          %add3A_153 = arith.addi %mul3A_151, %add3A_152 : i32
          %mul3A_154 = arith.constant 16 : i32
          %mul3A_155 = arith.muli %add3A_153, %mul3A_154 : i32
          %get3A_156 = arith.index_cast %mul3A_155 : i32 to index
          %get3A_157 = tpu.vector_load %arg7[%get3A_156] {strides = array<i32>} : memref<16000xi32, #tpu.memory_space<vmem>>, vector<16xi32>,
          %mul3A_158 = arith.constant 16 : i32
          %mul3A_159 = arith.muli %add3A_153, %mul3A_158 : i32
          %get3A_160 = arith.index_cast %mul3A_159 : i32 to index
          %get3A_161 = tpu.vector_load %arg6[%get3A_160] {strides = array<i32>} : memref<16000xi32, #tpu.memory_space<vmem>>, vector<16xi32>,
          %sub3A_162 = vector.broadcast %mul3A_2 : i32 to vector<16xi32>
          %sub3A_163 = arith.subi %get3A_157, %sub3A_162 : vector<16xi32>
          %lt3A_164 = arith.constant 320 : i32
          %lt3A_165 = vector.broadcast %lt3A_164 : i32 to vector<16xi32>
          %lt3A_166 = arith.cmpi ult, %sub3A_163, %lt3A_165 : vector<16xi32>
          %shift_left3A_167 = arith.constant 9 : i32
          %shift_left3A_168 = vector.broadcast %shift_left3A_167 : i32 to vector<16xi32>
          %shift_left3A_169 = arith.shli %get3A_161, %shift_left3A_168 : vector<16xi32>
          %or3A_170 = arith.ori %shift_left3A_169, %sub3A_163 : vector<16xi32>
          %all_reduce_population_count3A_171 = tpu.all_reduce %lt3A_166 {dim = 0 : i64, kind = #tpu.reduction_kind<sum>} : vector<16xi1> -> vector<16xi32>
          %mul3A_172 = arith.constant 8 : i32
          %mul3A_173 = arith.muli %scan3A_64, %mul3A_172 : i32
          %add3A_174 = arith.constant 5 : i32
          %add3A_175 = arith.addi %mul3A_173, %add3A_174 : i32
          %mul3A_176 = arith.constant 16 : i32
          %mul3A_177 = arith.muli %add3A_175, %mul3A_176 : i32
          %get3A_178 = arith.index_cast %mul3A_177 : i32 to index
          %get3A_179 = tpu.vector_load %arg7[%get3A_178] {strides = array<i32>} : memref<16000xi32, #tpu.memory_space<vmem>>, vector<16xi32>,
          %mul3A_180 = arith.constant 16 : i32
          %mul3A_181 = arith.muli %add3A_175, %mul3A_180 : i32
          %get3A_182 = arith.index_cast %mul3A_181 : i32 to index
          %get3A_183 = tpu.vector_load %arg6[%get3A_182] {strides = array<i32>} : memref<16000xi32, #tpu.memory_space<vmem>>, vector<16xi32>,
          %sub3A_184 = vector.broadcast %mul3A_2 : i32 to vector<16xi32>
          %sub3A_185 = arith.subi %get3A_179, %sub3A_184 : vector<16xi32>
          %lt3A_186 = arith.constant 320 : i32
          %lt3A_187 = vector.broadcast %lt3A_186 : i32 to vector<16xi32>
          %lt3A_188 = arith.cmpi ult, %sub3A_185, %lt3A_187 : vector<16xi32>
          %shift_left3A_189 = arith.constant 9 : i32
          %shift_left3A_190 = vector.broadcast %shift_left3A_189 : i32 to vector<16xi32>
          %shift_left3A_191 = arith.shli %get3A_183, %shift_left3A_190 : vector<16xi32>
          %or3A_192 = arith.ori %shift_left3A_191, %sub3A_185 : vector<16xi32>
          %all_reduce_population_count3A_193 = tpu.all_reduce %lt3A_188 {dim = 0 : i64, kind = #tpu.reduction_kind<sum>} : vector<16xi1> -> vector<16xi32>
          %mul3A_194 = arith.constant 8 : i32
          %mul3A_195 = arith.muli %scan3A_64, %mul3A_194 : i32
          %add3A_196 = arith.constant 6 : i32
          %add3A_197 = arith.addi %mul3A_195, %add3A_196 : i32
          %mul3A_198 = arith.constant 16 : i32
          %mul3A_199 = arith.muli %add3A_197, %mul3A_198 : i32
          %get3A_200 = arith.index_cast %mul3A_199 : i32 to index
          %get3A_201 = tpu.vector_load %arg7[%get3A_200] {strides = array<i32>} : memref<16000xi32, #tpu.memory_space<vmem>>, vector<16xi32>,
          %mul3A_202 = arith.constant 16 : i32
          %mul3A_203 = arith.muli %add3A_197, %mul3A_202 : i32
          %get3A_204 = arith.index_cast %mul3A_203 : i32 to index
          %get3A_205 = tpu.vector_load %arg6[%get3A_204] {strides = array<i32>} : memref<16000xi32, #tpu.memory_space<vmem>>, vector<16xi32>,
          %sub3A_206 = vector.broadcast %mul3A_2 : i32 to vector<16xi32>
          %sub3A_207 = arith.subi %get3A_201, %sub3A_206 : vector<16xi32>
          %lt3A_208 = arith.constant 320 : i32
          %lt3A_209 = vector.broadcast %lt3A_208 : i32 to vector<16xi32>
          %lt3A_210 = arith.cmpi ult, %sub3A_207, %lt3A_209 : vector<16xi32>
          %shift_left3A_211 = arith.constant 9 : i32
          %shift_left3A_212 = vector.broadcast %shift_left3A_211 : i32 to vector<16xi32>
          %shift_left3A_213 = arith.shli %get3A_205, %shift_left3A_212 : vector<16xi32>
          %or3A_214 = arith.ori %shift_left3A_213, %sub3A_207 : vector<16xi32>
          %all_reduce_population_count3A_215 = tpu.all_reduce %lt3A_210 {dim = 0 : i64, kind = #tpu.reduction_kind<sum>} : vector<16xi1> -> vector<16xi32>
          %mul3A_216 = arith.constant 8 : i32
          %mul3A_217 = arith.muli %scan3A_64, %mul3A_216 : i32
          %add3A_218 = arith.constant 7 : i32
          %add3A_219 = arith.addi %mul3A_217, %add3A_218 : i32
          %mul3A_220 = arith.constant 16 : i32
          %mul3A_221 = arith.muli %add3A_219, %mul3A_220 : i32
          %get3A_222 = arith.index_cast %mul3A_221 : i32 to index
          %get3A_223 = tpu.vector_load %arg7[%get3A_222] {strides = array<i32>} : memref<16000xi32, #tpu.memory_space<vmem>>, vector<16xi32>,
          %mul3A_224 = arith.constant 16 : i32
          %mul3A_225 = arith.muli %add3A_219, %mul3A_224 : i32
          %get3A_226 = arith.index_cast %mul3A_225 : i32 to index
          %get3A_227 = tpu.vector_load %arg6[%get3A_226] {strides = array<i32>} : memref<16000xi32, #tpu.memory_space<vmem>>, vector<16xi32>,
          %sub3A_228 = vector.broadcast %mul3A_2 : i32 to vector<16xi32>
          %sub3A_229 = arith.subi %get3A_223, %sub3A_228 : vector<16xi32>
          %lt3A_230 = arith.constant 320 : i32
          %lt3A_231 = vector.broadcast %lt3A_230 : i32 to vector<16xi32>
          %lt3A_232 = arith.cmpi ult, %sub3A_229, %lt3A_231 : vector<16xi32>
          %shift_left3A_233 = arith.constant 9 : i32
          %shift_left3A_234 = vector.broadcast %shift_left3A_233 : i32 to vector<16xi32>
          %shift_left3A_235 = arith.shli %get3A_227, %shift_left3A_234 : vector<16xi32>
          %or3A_236 = arith.ori %shift_left3A_235, %sub3A_229 : vector<16xi32>
          %all_reduce_population_count3A_237 = tpu.all_reduce %lt3A_232 {dim = 0 : i64, kind = #tpu.reduction_kind<sum>} : vector<16xi1> -> vector<16xi32>
          %swap3A_238 = arith.index_cast %scan3A_65 : i32 to index
          %swap3A_239 = tpu.vector_load %arg10[%swap3A_238] masked %lt3A_81 {strides = array<i32>} : memref<1184xi32, #tpu.memory_space<vmem>>, vector<16xi32>, vector<16xi1>
          tpu.vector_store %arg10[%swap3A_238], %or3A masked %lt3A_81 {strides = array<i32>} : memref<1184xi32, #tpu.memory_space<vmem>>, vector<16xi32>, vector<16xi1>
          %slice3A = vector.extract_strided_slice %all_reduce_population_count3A {offsets = [0], sizes = [1], strides = [1]} : vector<16xi32> to vector<1xi32>
          %squeeze3A = vector.extract %slice3A[0] : i32 from vector<1xi32>
          %add3A_240 = arith.addi %scan3A_65, %squeeze3A : i32
          %swap3A_241 = arith.index_cast %add3A_240 : i32 to index
          %swap3A_242 = tpu.vector_load %arg10[%swap3A_241] masked %lt3A_100 {strides = array<i32>} : memref<1184xi32, #tpu.memory_space<vmem>>, vector<16xi32>, vector<16xi1>
          tpu.vector_store %arg10[%swap3A_241], %or3A_104 masked %lt3A_100 {strides = array<i32>} : memref<1184xi32, #tpu.memory_space<vmem>>, vector<16xi32>, vector<16xi1>
          %slice3A_243 = vector.extract_strided_slice %all_reduce_population_count3A_105 {offsets = [0], sizes = [1], strides = [1]} : vector<16xi32> to vector<1xi32>
          %squeeze3A_244 = vector.extract %slice3A_243[0] : i32 from vector<1xi32>
          %add3A_245 = arith.addi %add3A_240, %squeeze3A_244 : i32
          %swap3A_246 = arith.index_cast %add3A_245 : i32 to index
          %swap3A_247 = tpu.vector_load %arg10[%swap3A_246] masked %lt3A_122 {strides = array<i32>} : memref<1184xi32, #tpu.memory_space<vmem>>, vector<16xi32>, vector<16xi1>
          tpu.vector_store %arg10[%swap3A_246], %or3A_126 masked %lt3A_122 {strides = array<i32>} : memref<1184xi32, #tpu.memory_space<vmem>>, vector<16xi32>, vector<16xi1>
          %slice3A_248 = vector.extract_strided_slice %all_reduce_population_count3A_127 {offsets = [0], sizes = [1], strides = [1]} : vector<16xi32> to vector<1xi32>
          %squeeze3A_249 = vector.extract %slice3A_248[0] : i32 from vector<1xi32>
          %add3A_250 = arith.addi %add3A_245, %squeeze3A_249 : i32
          %swap3A_251 = arith.index_cast %add3A_250 : i32 to index
          %swap3A_252 = tpu.vector_load %arg10[%swap3A_251] masked %lt3A_144 {strides = array<i32>} : memref<1184xi32, #tpu.memory_space<vmem>>, vector<16xi32>, vector<16xi1>
          tpu.vector_store %arg10[%swap3A_251], %or3A_148 masked %lt3A_144 {strides = array<i32>} : memref<1184xi32, #tpu.memory_space<vmem>>, vector<16xi32>, vector<16xi1>
          %slice3A_253 = vector.extract_strided_slice %all_reduce_population_count3A_149 {offsets = [0], sizes = [1], strides = [1]} : vector<16xi32> to vector<1xi32>
          %squeeze3A_254 = vector.extract %slice3A_253[0] : i32 from vector<1xi32>
          %add3A_255 = arith.addi %add3A_250, %squeeze3A_254 : i32
          %swap3A_256 = arith.index_cast %add3A_255 : i32 to index
          %swap3A_257 = tpu.vector_load %arg10[%swap3A_256] masked %lt3A_166 {strides = array<i32>} : memref<1184xi32, #tpu.memory_space<vmem>>, vector<16xi32>, vector<16xi1>
          tpu.vector_store %arg10[%swap3A_256], %or3A_170 masked %lt3A_166 {strides = array<i32>} : memref<1184xi32, #tpu.memory_space<vmem>>, vector<16xi32>, vector<16xi1>
          %slice3A_258 = vector.extract_strided_slice %all_reduce_population_count3A_171 {offsets = [0], sizes = [1], strides = [1]} : vector<16xi32> to vector<1xi32>
          %squeeze3A_259 = vector.extract %slice3A_258[0] : i32 from vector<1xi32>
          %add3A_260 = arith.addi %add3A_255, %squeeze3A_259 : i32
          %swap3A_261 = arith.index_cast %add3A_260 : i32 to index
          %swap3A_262 = tpu.vector_load %arg10[%swap3A_261] masked %lt3A_188 {strides = array<i32>} : memref<1184xi32, #tpu.memory_space<vmem>>, vector<16xi32>, vector<16xi1>
          tpu.vector_store %arg10[%swap3A_261], %or3A_192 masked %lt3A_188 {strides = array<i32>} : memref<1184xi32, #tpu.memory_space<vmem>>, vector<16xi32>, vector<16xi1>
          %slice3A_263 = vector.extract_strided_slice %all_reduce_population_count3A_193 {offsets = [0], sizes = [1], strides = [1]} : vector<16xi32> to vector<1xi32>
          %squeeze3A_264 = vector.extract %slice3A_263[0] : i32 from vector<1xi32>
          %add3A_265 = arith.addi %add3A_260, %squeeze3A_264 : i32
          %swap3A_266 = arith.index_cast %add3A_265 : i32 to index
          %swap3A_267 = tpu.vector_load %arg10[%swap3A_266] masked %lt3A_210 {strides = array<i32>} : memref<1184xi32, #tpu.memory_space<vmem>>, vector<16xi32>, vector<16xi1>
          tpu.vector_store %arg10[%swap3A_266], %or3A_214 masked %lt3A_210 {strides = array<i32>} : memref<1184xi32, #tpu.memory_space<vmem>>, vector<16xi32>, vector<16xi1>
          %slice3A_268 = vector.extract_strided_slice %all_reduce_population_count3A_215 {offsets = [0], sizes = [1], strides = [1]} : vector<16xi32> to vector<1xi32>
          %squeeze3A_269 = vector.extract %slice3A_268[0] : i32 from vector<1xi32>
          %add3A_270 = arith.addi %add3A_265, %squeeze3A_269 : i32
          %swap3A_271 = arith.index_cast %add3A_270 : i32 to index
          %swap3A_272 = tpu.vector_load %arg10[%swap3A_271] masked %lt3A_232 {strides = array<i32>} : memref<1184xi32, #tpu.memory_space<vmem>>, vector<16xi32>, vector<16xi1>
          tpu.vector_store %arg10[%swap3A_271], %or3A_236 masked %lt3A_232 {strides = array<i32>} : memref<1184xi32, #tpu.memory_space<vmem>>, vector<16xi32>, vector<16xi1>
          %slice3A_273 = vector.extract_strided_slice %all_reduce_population_count3A_237 {offsets = [0], sizes = [1], strides = [1]} : vector<16xi32> to vector<1xi32>
          %squeeze3A_274 = vector.extract %slice3A_273[0] : i32 from vector<1xi32>
          %add3A_275 = arith.addi %add3A_270, %squeeze3A_274 : i32
          %ge3A = arith.constant 1024 : i32
          %ge3A_276 = arith.cmpi sge, %add3A_275, %ge3A : i32
          %convert_element_type3A_277 = arith.extui %ge3A_276 : i1 to i32
          %cond3A_278 = arith.constant 0 : i32
          %cond3A_279 = arith.cmpi ne, %convert_element_type3A_277, %cond3A_278 : i32
          scf.if %cond3A_279 {
            %mul3A_284 = arith.constant 1024 : i32
            %mul3A_285 = arith.muli %scan3A_66, %mul3A_284 : i32
            "tpu.region"() ({
              %run_scoped3A = tpu.sem_alloc : memref<!tpu.dma_semaphore, #tpu.memory_space<semaphore_mem>>
              %dma_start3A_322 = arith.constant 0 : i32
              %dma_start3A_323 = tpu.memref_slice %arg10[%dma_start3A_322] : memref<1184xi32, #tpu.memory_space<vmem>> -> memref<1024xi32, #tpu.memory_space<vmem>>
              %dma_start3A_324 = tpu.memref_slice %arg4[%add3A, %mul3A_285] : memref<32x321536xi32, #tpu.memory_space<hbm>> -> memref<1x1024xi32, #tpu.memory_space<hbm>>
              %dma_start3A_325 = tpu.memref_squeeze %dma_start3A_324 : memref<1x1024xi32, #tpu.memory_space<hbm>> -> memref<1024xi32, #tpu.memory_space<hbm>>
              %dma_start3A_326 = tpu.memref_slice %arg4[%add3A, %mul3A_285] : memref<32x321536xi32, #tpu.memory_space<hbm>> -> memref<1x1024xi32, #tpu.memory_space<hbm>>
              %dma_start3A_327 = tpu.memref_squeeze %dma_start3A_326 : memref<1x1024xi32, #tpu.memory_space<hbm>> -> memref<1024xi32, #tpu.memory_space<hbm>>
              %dma_start3A_328 = arith.constant 0 : i32
              %dma_start3A_329 = tpu.memref_slice %arg10[%dma_start3A_328] : memref<1184xi32, #tpu.memory_space<vmem>> -> memref<1024xi32, #tpu.memory_space<vmem>>
              tpu.enqueue_dma source(%dma_start3A_329 : memref<1024xi32, #tpu.memory_space<vmem>>) target(%dma_start3A_327 : memref<1024xi32, #tpu.memory_space<hbm>>) target_semaphore(%run_scoped3A : memref<!tpu.dma_semaphore, #tpu.memory_space<semaphore_mem>>)
              %dma_wait3A = arith.constant 0 : i32
              %dma_wait3A_330 = tpu.memref_slice %arg10[%dma_wait3A] : memref<1184xi32, #tpu.memory_space<vmem>> -> memref<1024xi32, #tpu.memory_space<vmem>>
              %dma_wait3A_331 = tpu.memref_slice %arg4[%add3A, %mul3A_285] : memref<32x321536xi32, #tpu.memory_space<hbm>> -> memref<1x1024xi32, #tpu.memory_space<hbm>>
              %dma_wait3A_332 = tpu.memref_squeeze %dma_wait3A_331 : memref<1x1024xi32, #tpu.memory_space<hbm>> -> memref<1024xi32, #tpu.memory_space<hbm>>
              %dma_wait3A_333 = tpu.memref_slice %arg4[%add3A, %mul3A_285] : memref<32x321536xi32, #tpu.memory_space<hbm>> -> memref<1x1024xi32, #tpu.memory_space<hbm>>
              %dma_wait3A_334 = tpu.memref_squeeze %dma_wait3A_333 : memref<1x1024xi32, #tpu.memory_space<hbm>> -> memref<1024xi32, #tpu.memory_space<hbm>>
              %dma_wait3A_335 = arith.constant 0 : i32
              %dma_wait3A_336 = tpu.memref_slice %arg10[%dma_wait3A_335] : memref<1184xi32, #tpu.memory_space<vmem>> -> memref<1024xi32, #tpu.memory_space<vmem>>
              tpu.wait_dma2 semaphore(%run_scoped3A : memref<!tpu.dma_semaphore, #tpu.memory_space<semaphore_mem>>) src(%dma_wait3A_336 : memref<1024xi32, #tpu.memory_space<vmem>>) dst(%dma_wait3A_334 : memref<1024xi32, #tpu.memory_space<hbm>>)
              tpu.yield
            }) : () -> ()
            %get3A_286 = arith.constant 1024 : index
            %get3A_287 = tpu.vector_load %arg10[%get3A_286] {strides = array<i32>} : memref<1184xi32, #tpu.memory_space<vmem>>, vector<16xi32>,
            %swap3A_288 = arith.constant 0 : index
            %swap3A_289 = tpu.vector_load %arg10[%swap3A_288] {strides = array<i32>} : memref<1184xi32, #tpu.memory_space<vmem>>, vector<16xi32>,
            tpu.vector_store %arg10[%swap3A_288], %get3A_287 {strides = array<i32>} : memref<1184xi32, #tpu.memory_space<vmem>>, vector<16xi32>,
            %get3A_290 = arith.constant 1040 : index
            %get3A_291 = tpu.vector_load %arg10[%get3A_290] {strides = array<i32>} : memref<1184xi32, #tpu.memory_space<vmem>>, vector<16xi32>,
            %swap3A_292 = arith.constant 16 : index
            %swap3A_293 = tpu.vector_load %arg10[%swap3A_292] {strides = array<i32>} : memref<1184xi32, #tpu.memory_space<vmem>>, vector<16xi32>,
            tpu.vector_store %arg10[%swap3A_292], %get3A_291 {strides = array<i32>} : memref<1184xi32, #tpu.memory_space<vmem>>, vector<16xi32>,
            %get3A_294 = arith.constant 1056 : index
            %get3A_295 = tpu.vector_load %arg10[%get3A_294] {strides = array<i32>} : memref<1184xi32, #tpu.memory_space<vmem>>, vector<16xi32>,
            %swap3A_296 = arith.constant 32 : index
            %swap3A_297 = tpu.vector_load %arg10[%swap3A_296] {strides = array<i32>} : memref<1184xi32, #tpu.memory_space<vmem>>, vector<16xi32>,
            tpu.vector_store %arg10[%swap3A_296], %get3A_295 {strides = array<i32>} : memref<1184xi32, #tpu.memory_space<vmem>>, vector<16xi32>,
            %get3A_298 = arith.constant 1072 : index
            %get3A_299 = tpu.vector_load %arg10[%get3A_298] {strides = array<i32>} : memref<1184xi32, #tpu.memory_space<vmem>>, vector<16xi32>,
            %swap3A_300 = arith.constant 48 : index
            %swap3A_301 = tpu.vector_load %arg10[%swap3A_300] {strides = array<i32>} : memref<1184xi32, #tpu.memory_space<vmem>>, vector<16xi32>,
            tpu.vector_store %arg10[%swap3A_300], %get3A_299 {strides = array<i32>} : memref<1184xi32, #tpu.memory_space<vmem>>, vector<16xi32>,
            %get3A_302 = arith.constant 1088 : index
            %get3A_303 = tpu.vector_load %arg10[%get3A_302] {strides = array<i32>} : memref<1184xi32, #tpu.memory_space<vmem>>, vector<16xi32>,
            %swap3A_304 = arith.constant 64 : index
            %swap3A_305 = tpu.vector_load %arg10[%swap3A_304] {strides = array<i32>} : memref<1184xi32, #tpu.memory_space<vmem>>, vector<16xi32>,
            tpu.vector_store %arg10[%swap3A_304], %get3A_303 {strides = array<i32>} : memref<1184xi32, #tpu.memory_space<vmem>>, vector<16xi32>,
            %get3A_306 = arith.constant 1104 : index
            %get3A_307 = tpu.vector_load %arg10[%get3A_306] {strides = array<i32>} : memref<1184xi32, #tpu.memory_space<vmem>>, vector<16xi32>,
            %swap3A_308 = arith.constant 80 : index
            %swap3A_309 = tpu.vector_load %arg10[%swap3A_308] {strides = array<i32>} : memref<1184xi32, #tpu.memory_space<vmem>>, vector<16xi32>,
            tpu.vector_store %arg10[%swap3A_308], %get3A_307 {strides = array<i32>} : memref<1184xi32, #tpu.memory_space<vmem>>, vector<16xi32>,
            %get3A_310 = arith.constant 1120 : index
            %get3A_311 = tpu.vector_load %arg10[%get3A_310] {strides = array<i32>} : memref<1184xi32, #tpu.memory_space<vmem>>, vector<16xi32>,
            %swap3A_312 = arith.constant 96 : index
            %swap3A_313 = tpu.vector_load %arg10[%swap3A_312] {strides = array<i32>} : memref<1184xi32, #tpu.memory_space<vmem>>, vector<16xi32>,
            tpu.vector_store %arg10[%swap3A_312], %get3A_311 {strides = array<i32>} : memref<1184xi32, #tpu.memory_space<vmem>>, vector<16xi32>,
            %get3A_314 = arith.constant 1136 : index
            %get3A_315 = tpu.vector_load %arg10[%get3A_314] {strides = array<i32>} : memref<1184xi32, #tpu.memory_space<vmem>>, vector<16xi32>,
            %swap3A_316 = arith.constant 112 : index
            %swap3A_317 = tpu.vector_load %arg10[%swap3A_316] {strides = array<i32>} : memref<1184xi32, #tpu.memory_space<vmem>>, vector<16xi32>,
            tpu.vector_store %arg10[%swap3A_316], %get3A_315 {strides = array<i32>} : memref<1184xi32, #tpu.memory_space<vmem>>, vector<16xi32>,
            %get3A_318 = arith.constant 1152 : index
            %get3A_319 = tpu.vector_load %arg10[%get3A_318] {strides = array<i32>} : memref<1184xi32, #tpu.memory_space<vmem>>, vector<16xi32>,
            %swap3A_320 = arith.constant 128 : index
            %swap3A_321 = tpu.vector_load %arg10[%swap3A_320] {strides = array<i32>} : memref<1184xi32, #tpu.memory_space<vmem>>, vector<16xi32>,
            tpu.vector_store %arg10[%swap3A_320], %get3A_319 {strides = array<i32>} : memref<1184xi32, #tpu.memory_space<vmem>>, vector<16xi32>,
          } else {
          }
          %sub3A_280 = arith.constant 1024 : i32
          %sub3A_281 = arith.subi %add3A_275, %sub3A_280 : i32
          %select_n3A = arith.select %ge3A_276, %sub3A_281, %add3A_275 : i32
          %convert_element_type3A_282 = arith.extui %ge3A_276 : i1 to i32
          %add3A_283 = arith.addi %scan3A_66, %convert_element_type3A_282 : i32
          scf.yield %select_n3A, %add3A_283 : i32, i32
        }
        %scan3A_63 = arith.constant 125 : i32
        scf.yield %scan3A_62#0, %scan3A_62#1 : i32, i32
      } else {
        scf.yield %scan3A_29, %scan3A_30 : i32, i32
      }
      %mul3A_43 = arith.constant 2 : i32
      %mul3A_44 = arith.muli %scan3A_28, %mul3A_43 : i32
      %add3A_45 = arith.constant 1 : i32
      %add3A_46 = arith.addi %mul3A_44, %add3A_45 : i32
      %lt3A_47 = arith.constant 20 : i32
      %lt3A_48 = arith.cmpi slt, %add3A_46, %lt3A_47 : i32
      %convert_element_type3A_49 = arith.extui %lt3A_48 : i1 to i32
      %cond3A_50 = arith.constant 0 : i32
      %cond3A_51 = arith.cmpi ne, %convert_element_type3A_49, %cond3A_50 : i32
      scf.if %cond3A_51 {
        %mul3A_58 = arith.constant 16000 : i32
        %mul3A_59 = arith.muli %add3A_46, %mul3A_58 : i32
        %dma_wait3A = tpu.memref_slice %arg2[%mul3A_59] : memref<320000xi32, #tpu.memory_space<hbm>> -> memref<16000xi32, #tpu.memory_space<hbm>>
        %dma_wait3A_60 = tpu.memref_slice %arg2[%mul3A_59] : memref<320000xi32, #tpu.memory_space<hbm>> -> memref<16000xi32, #tpu.memory_space<hbm>>
        tpu.wait_dma2 semaphore(%arg13 : memref<!tpu.dma_semaphore, #tpu.memory_space<semaphore_mem>>) src(%dma_wait3A_60 : memref<16000xi32, #tpu.memory_space<hbm>>) dst(%arg8 : memref<16000xi32, #tpu.memory_space<vmem>>)
        %mul3A_61 = arith.constant 16000 : i32
        %mul3A_62 = arith.muli %add3A_46, %mul3A_61 : i32
        %dma_wait3A_63 = tpu.memref_slice %arg3[%mul3A_62] : memref<320000xi32, #tpu.memory_space<hbm>> -> memref<16000xi32, #tpu.memory_space<hbm>>
        %dma_wait3A_64 = tpu.memref_slice %arg3[%mul3A_62] : memref<320000xi32, #tpu.memory_space<hbm>> -> memref<16000xi32, #tpu.memory_space<hbm>>
        tpu.wait_dma2 semaphore(%arg13 : memref<!tpu.dma_semaphore, #tpu.memory_space<semaphore_mem>>) src(%dma_wait3A_64 : memref<16000xi32, #tpu.memory_space<hbm>>) dst(%arg9 : memref<16000xi32, #tpu.memory_space<vmem>>)
        %add3A_65 = arith.constant 1 : i32
        %add3A_66 = arith.addi %add3A_46, %add3A_65 : i32
        %lt3A_67 = arith.constant 20 : i32
        %lt3A_68 = arith.cmpi slt, %add3A_66, %lt3A_67 : i32
        %convert_element_type3A_69 = arith.extui %lt3A_68 : i1 to i32
        %cond3A_70 = arith.constant 0 : i32
        %cond3A_71 = arith.cmpi ne, %convert_element_type3A_69, %cond3A_70 : i32
        scf.if %cond3A_71 {
          %add3A_72 = arith.constant 1 : i32
          %add3A_73 = arith.addi %add3A_46, %add3A_72 : i32
          %mul3A_74 = arith.constant 16000 : i32
          %mul3A_75 = arith.muli %add3A_73, %mul3A_74 : i32
          %dma_start3A_76 = tpu.memref_slice %arg2[%mul3A_75] : memref<320000xi32, #tpu.memory_space<hbm>> -> memref<16000xi32, #tpu.memory_space<hbm>>
          %dma_start3A_77 = tpu.memref_slice %arg2[%mul3A_75] : memref<320000xi32, #tpu.memory_space<hbm>> -> memref<16000xi32, #tpu.memory_space<hbm>>
          tpu.enqueue_dma source(%dma_start3A_77 : memref<16000xi32, #tpu.memory_space<hbm>>) target(%arg6 : memref<16000xi32, #tpu.memory_space<vmem>>) target_semaphore(%arg12 : memref<!tpu.dma_semaphore, #tpu.memory_space<semaphore_mem>>)
          %mul3A_78 = arith.constant 16000 : i32
          %mul3A_79 = arith.muli %add3A_73, %mul3A_78 : i32
          %dma_start3A_80 = tpu.memref_slice %arg3[%mul3A_79] : memref<320000xi32, #tpu.memory_space<hbm>> -> memref<16000xi32, #tpu.memory_space<hbm>>
          %dma_start3A_81 = tpu.memref_slice %arg3[%mul3A_79] : memref<320000xi32, #tpu.memory_space<hbm>> -> memref<16000xi32, #tpu.memory_space<hbm>>
          tpu.enqueue_dma source(%dma_start3A_81 : memref<16000xi32, #tpu.memory_space<hbm>>) target(%arg7 : memref<16000xi32, #tpu.memory_space<vmem>>) target_semaphore(%arg12 : memref<!tpu.dma_semaphore, #tpu.memory_space<semaphore_mem>>)
        } else {
        }
      } else {
      }
      %lt3A_52 = arith.constant 20 : i32
      %lt3A_53 = arith.cmpi slt, %add3A_46, %lt3A_52 : i32
      %convert_element_type3A_54 = arith.extui %lt3A_53 : i1 to i32
      %cond3A_55 = arith.constant 0 : i32
      %cond3A_56 = arith.cmpi ne, %convert_element_type3A_54, %cond3A_55 : i32
      %cond3A_57:2 = scf.if %cond3A_56 -> (i32, i32) {
        %scan3A_58 = arith.constant 0 : i32
        %scan3A_59 = arith.constant 125 : i32
        %scan3A_60 = arith.addi %scan3A_58, %scan3A_59 : i32
        %scan3A_61 = arith.constant 1 : i32
        %scan3A_62:2 = scf.for %scan3A_64 = %scan3A_58 to %scan3A_60 step %scan3A_61 iter_args(%scan3A_65 = %cond3A_42#0, %scan3A_66 = %cond3A_42#1) -> (i32, i32)  : i32 {
          %mul3A_67 = arith.constant 8 : i32
          %mul3A_68 = arith.muli %scan3A_64, %mul3A_67 : i32
          %add3A_69 = arith.constant 0 : i32
          %add3A_70 = arith.addi %mul3A_68, %add3A_69 : i32
          %mul3A_71 = arith.constant 16 : i32
          %mul3A_72 = arith.muli %add3A_70, %mul3A_71 : i32
          %get3A = arith.index_cast %mul3A_72 : i32 to index
          %get3A_73 = tpu.vector_load %arg9[%get3A] {strides = array<i32>} : memref<16000xi32, #tpu.memory_space<vmem>>, vector<16xi32>,
          %mul3A_74 = arith.constant 16 : i32
          %mul3A_75 = arith.muli %add3A_70, %mul3A_74 : i32
          %get3A_76 = arith.index_cast %mul3A_75 : i32 to index
          %get3A_77 = tpu.vector_load %arg8[%get3A_76] {strides = array<i32>} : memref<16000xi32, #tpu.memory_space<vmem>>, vector<16xi32>,
          %sub3A = vector.broadcast %mul3A_2 : i32 to vector<16xi32>
          %sub3A_78 = arith.subi %get3A_73, %sub3A : vector<16xi32>
          %lt3A_79 = arith.constant 320 : i32
          %lt3A_80 = vector.broadcast %lt3A_79 : i32 to vector<16xi32>
          %lt3A_81 = arith.cmpi ult, %sub3A_78, %lt3A_80 : vector<16xi32>
          %shift_left3A = arith.constant 9 : i32
          %shift_left3A_82 = vector.broadcast %shift_left3A : i32 to vector<16xi32>
          %shift_left3A_83 = arith.shli %get3A_77, %shift_left3A_82 : vector<16xi32>
          %or3A = arith.ori %shift_left3A_83, %sub3A_78 : vector<16xi32>
          %all_reduce_population_count3A = tpu.all_reduce %lt3A_81 {dim = 0 : i64, kind = #tpu.reduction_kind<sum>} : vector<16xi1> -> vector<16xi32>
          %mul3A_84 = arith.constant 8 : i32
          %mul3A_85 = arith.muli %scan3A_64, %mul3A_84 : i32
          %add3A_86 = arith.constant 1 : i32
          %add3A_87 = arith.addi %mul3A_85, %add3A_86 : i32
          %mul3A_88 = arith.constant 16 : i32
          %mul3A_89 = arith.muli %add3A_87, %mul3A_88 : i32
          %get3A_90 = arith.index_cast %mul3A_89 : i32 to index
          %get3A_91 = tpu.vector_load %arg9[%get3A_90] {strides = array<i32>} : memref<16000xi32, #tpu.memory_space<vmem>>, vector<16xi32>,
          %mul3A_92 = arith.constant 16 : i32
          %mul3A_93 = arith.muli %add3A_87, %mul3A_92 : i32
          %get3A_94 = arith.index_cast %mul3A_93 : i32 to index
          %get3A_95 = tpu.vector_load %arg8[%get3A_94] {strides = array<i32>} : memref<16000xi32, #tpu.memory_space<vmem>>, vector<16xi32>,
          %sub3A_96 = vector.broadcast %mul3A_2 : i32 to vector<16xi32>
          %sub3A_97 = arith.subi %get3A_91, %sub3A_96 : vector<16xi32>
          %lt3A_98 = arith.constant 320 : i32
          %lt3A_99 = vector.broadcast %lt3A_98 : i32 to vector<16xi32>
          %lt3A_100 = arith.cmpi ult, %sub3A_97, %lt3A_99 : vector<16xi32>
          %shift_left3A_101 = arith.constant 9 : i32
          %shift_left3A_102 = vector.broadcast %shift_left3A_101 : i32 to vector<16xi32>
          %shift_left3A_103 = arith.shli %get3A_95, %shift_left3A_102 : vector<16xi32>
          %or3A_104 = arith.ori %shift_left3A_103, %sub3A_97 : vector<16xi32>
          %all_reduce_population_count3A_105 = tpu.all_reduce %lt3A_100 {dim = 0 : i64, kind = #tpu.reduction_kind<sum>} : vector<16xi1> -> vector<16xi32>
          %mul3A_106 = arith.constant 8 : i32
          %mul3A_107 = arith.muli %scan3A_64, %mul3A_106 : i32
          %add3A_108 = arith.constant 2 : i32
          %add3A_109 = arith.addi %mul3A_107, %add3A_108 : i32
          %mul3A_110 = arith.constant 16 : i32
          %mul3A_111 = arith.muli %add3A_109, %mul3A_110 : i32
          %get3A_112 = arith.index_cast %mul3A_111 : i32 to index
          %get3A_113 = tpu.vector_load %arg9[%get3A_112] {strides = array<i32>} : memref<16000xi32, #tpu.memory_space<vmem>>, vector<16xi32>,
          %mul3A_114 = arith.constant 16 : i32
          %mul3A_115 = arith.muli %add3A_109, %mul3A_114 : i32
          %get3A_116 = arith.index_cast %mul3A_115 : i32 to index
          %get3A_117 = tpu.vector_load %arg8[%get3A_116] {strides = array<i32>} : memref<16000xi32, #tpu.memory_space<vmem>>, vector<16xi32>,
          %sub3A_118 = vector.broadcast %mul3A_2 : i32 to vector<16xi32>
          %sub3A_119 = arith.subi %get3A_113, %sub3A_118 : vector<16xi32>
          %lt3A_120 = arith.constant 320 : i32
          %lt3A_121 = vector.broadcast %lt3A_120 : i32 to vector<16xi32>
          %lt3A_122 = arith.cmpi ult, %sub3A_119, %lt3A_121 : vector<16xi32>
          %shift_left3A_123 = arith.constant 9 : i32
          %shift_left3A_124 = vector.broadcast %shift_left3A_123 : i32 to vector<16xi32>
          %shift_left3A_125 = arith.shli %get3A_117, %shift_left3A_124 : vector<16xi32>
          %or3A_126 = arith.ori %shift_left3A_125, %sub3A_119 : vector<16xi32>
          %all_reduce_population_count3A_127 = tpu.all_reduce %lt3A_122 {dim = 0 : i64, kind = #tpu.reduction_kind<sum>} : vector<16xi1> -> vector<16xi32>
          %mul3A_128 = arith.constant 8 : i32
          %mul3A_129 = arith.muli %scan3A_64, %mul3A_128 : i32
          %add3A_130 = arith.constant 3 : i32
          %add3A_131 = arith.addi %mul3A_129, %add3A_130 : i32
          %mul3A_132 = arith.constant 16 : i32
          %mul3A_133 = arith.muli %add3A_131, %mul3A_132 : i32
          %get3A_134 = arith.index_cast %mul3A_133 : i32 to index
          %get3A_135 = tpu.vector_load %arg9[%get3A_134] {strides = array<i32>} : memref<16000xi32, #tpu.memory_space<vmem>>, vector<16xi32>,
          %mul3A_136 = arith.constant 16 : i32
          %mul3A_137 = arith.muli %add3A_131, %mul3A_136 : i32
          %get3A_138 = arith.index_cast %mul3A_137 : i32 to index
          %get3A_139 = tpu.vector_load %arg8[%get3A_138] {strides = array<i32>} : memref<16000xi32, #tpu.memory_space<vmem>>, vector<16xi32>,
          %sub3A_140 = vector.broadcast %mul3A_2 : i32 to vector<16xi32>
          %sub3A_141 = arith.subi %get3A_135, %sub3A_140 : vector<16xi32>
          %lt3A_142 = arith.constant 320 : i32
          %lt3A_143 = vector.broadcast %lt3A_142 : i32 to vector<16xi32>
          %lt3A_144 = arith.cmpi ult, %sub3A_141, %lt3A_143 : vector<16xi32>
          %shift_left3A_145 = arith.constant 9 : i32
          %shift_left3A_146 = vector.broadcast %shift_left3A_145 : i32 to vector<16xi32>
          %shift_left3A_147 = arith.shli %get3A_139, %shift_left3A_146 : vector<16xi32>
          %or3A_148 = arith.ori %shift_left3A_147, %sub3A_141 : vector<16xi32>
          %all_reduce_population_count3A_149 = tpu.all_reduce %lt3A_144 {dim = 0 : i64, kind = #tpu.reduction_kind<sum>} : vector<16xi1> -> vector<16xi32>
          %mul3A_150 = arith.constant 8 : i32
          %mul3A_151 = arith.muli %scan3A_64, %mul3A_150 : i32
          %add3A_152 = arith.constant 4 : i32
          %add3A_153 = arith.addi %mul3A_151, %add3A_152 : i32
          %mul3A_154 = arith.constant 16 : i32
          %mul3A_155 = arith.muli %add3A_153, %mul3A_154 : i32
          %get3A_156 = arith.index_cast %mul3A_155 : i32 to index
          %get3A_157 = tpu.vector_load %arg9[%get3A_156] {strides = array<i32>} : memref<16000xi32, #tpu.memory_space<vmem>>, vector<16xi32>,
          %mul3A_158 = arith.constant 16 : i32
          %mul3A_159 = arith.muli %add3A_153, %mul3A_158 : i32
          %get3A_160 = arith.index_cast %mul3A_159 : i32 to index
          %get3A_161 = tpu.vector_load %arg8[%get3A_160] {strides = array<i32>} : memref<16000xi32, #tpu.memory_space<vmem>>, vector<16xi32>,
          %sub3A_162 = vector.broadcast %mul3A_2 : i32 to vector<16xi32>
          %sub3A_163 = arith.subi %get3A_157, %sub3A_162 : vector<16xi32>
          %lt3A_164 = arith.constant 320 : i32
          %lt3A_165 = vector.broadcast %lt3A_164 : i32 to vector<16xi32>
          %lt3A_166 = arith.cmpi ult, %sub3A_163, %lt3A_165 : vector<16xi32>
          %shift_left3A_167 = arith.constant 9 : i32
          %shift_left3A_168 = vector.broadcast %shift_left3A_167 : i32 to vector<16xi32>
          %shift_left3A_169 = arith.shli %get3A_161, %shift_left3A_168 : vector<16xi32>
          %or3A_170 = arith.ori %shift_left3A_169, %sub3A_163 : vector<16xi32>
          %all_reduce_population_count3A_171 = tpu.all_reduce %lt3A_166 {dim = 0 : i64, kind = #tpu.reduction_kind<sum>} : vector<16xi1> -> vector<16xi32>
          %mul3A_172 = arith.constant 8 : i32
          %mul3A_173 = arith.muli %scan3A_64, %mul3A_172 : i32
          %add3A_174 = arith.constant 5 : i32
          %add3A_175 = arith.addi %mul3A_173, %add3A_174 : i32
          %mul3A_176 = arith.constant 16 : i32
          %mul3A_177 = arith.muli %add3A_175, %mul3A_176 : i32
          %get3A_178 = arith.index_cast %mul3A_177 : i32 to index
          %get3A_179 = tpu.vector_load %arg9[%get3A_178] {strides = array<i32>} : memref<16000xi32, #tpu.memory_space<vmem>>, vector<16xi32>,
          %mul3A_180 = arith.constant 16 : i32
          %mul3A_181 = arith.muli %add3A_175, %mul3A_180 : i32
          %get3A_182 = arith.index_cast %mul3A_181 : i32 to index
          %get3A_183 = tpu.vector_load %arg8[%get3A_182] {strides = array<i32>} : memref<16000xi32, #tpu.memory_space<vmem>>, vector<16xi32>,
          %sub3A_184 = vector.broadcast %mul3A_2 : i32 to vector<16xi32>
          %sub3A_185 = arith.subi %get3A_179, %sub3A_184 : vector<16xi32>
          %lt3A_186 = arith.constant 320 : i32
          %lt3A_187 = vector.broadcast %lt3A_186 : i32 to vector<16xi32>
          %lt3A_188 = arith.cmpi ult, %sub3A_185, %lt3A_187 : vector<16xi32>
          %shift_left3A_189 = arith.constant 9 : i32
          %shift_left3A_190 = vector.broadcast %shift_left3A_189 : i32 to vector<16xi32>
          %shift_left3A_191 = arith.shli %get3A_183, %shift_left3A_190 : vector<16xi32>
          %or3A_192 = arith.ori %shift_left3A_191, %sub3A_185 : vector<16xi32>
          %all_reduce_population_count3A_193 = tpu.all_reduce %lt3A_188 {dim = 0 : i64, kind = #tpu.reduction_kind<sum>} : vector<16xi1> -> vector<16xi32>
          %mul3A_194 = arith.constant 8 : i32
          %mul3A_195 = arith.muli %scan3A_64, %mul3A_194 : i32
          %add3A_196 = arith.constant 6 : i32
          %add3A_197 = arith.addi %mul3A_195, %add3A_196 : i32
          %mul3A_198 = arith.constant 16 : i32
          %mul3A_199 = arith.muli %add3A_197, %mul3A_198 : i32
          %get3A_200 = arith.index_cast %mul3A_199 : i32 to index
          %get3A_201 = tpu.vector_load %arg9[%get3A_200] {strides = array<i32>} : memref<16000xi32, #tpu.memory_space<vmem>>, vector<16xi32>,
          %mul3A_202 = arith.constant 16 : i32
          %mul3A_203 = arith.muli %add3A_197, %mul3A_202 : i32
          %get3A_204 = arith.index_cast %mul3A_203 : i32 to index
          %get3A_205 = tpu.vector_load %arg8[%get3A_204] {strides = array<i32>} : memref<16000xi32, #tpu.memory_space<vmem>>, vector<16xi32>,
          %sub3A_206 = vector.broadcast %mul3A_2 : i32 to vector<16xi32>
          %sub3A_207 = arith.subi %get3A_201, %sub3A_206 : vector<16xi32>
          %lt3A_208 = arith.constant 320 : i32
          %lt3A_209 = vector.broadcast %lt3A_208 : i32 to vector<16xi32>
          %lt3A_210 = arith.cmpi ult, %sub3A_207, %lt3A_209 : vector<16xi32>
          %shift_left3A_211 = arith.constant 9 : i32
          %shift_left3A_212 = vector.broadcast %shift_left3A_211 : i32 to vector<16xi32>
          %shift_left3A_213 = arith.shli %get3A_205, %shift_left3A_212 : vector<16xi32>
          %or3A_214 = arith.ori %shift_left3A_213, %sub3A_207 : vector<16xi32>
          %all_reduce_population_count3A_215 = tpu.all_reduce %lt3A_210 {dim = 0 : i64, kind = #tpu.reduction_kind<sum>} : vector<16xi1> -> vector<16xi32>
          %mul3A_216 = arith.constant 8 : i32
          %mul3A_217 = arith.muli %scan3A_64, %mul3A_216 : i32
          %add3A_218 = arith.constant 7 : i32
          %add3A_219 = arith.addi %mul3A_217, %add3A_218 : i32
          %mul3A_220 = arith.constant 16 : i32
          %mul3A_221 = arith.muli %add3A_219, %mul3A_220 : i32
          %get3A_222 = arith.index_cast %mul3A_221 : i32 to index
          %get3A_223 = tpu.vector_load %arg9[%get3A_222] {strides = array<i32>} : memref<16000xi32, #tpu.memory_space<vmem>>, vector<16xi32>,
          %mul3A_224 = arith.constant 16 : i32
          %mul3A_225 = arith.muli %add3A_219, %mul3A_224 : i32
          %get3A_226 = arith.index_cast %mul3A_225 : i32 to index
          %get3A_227 = tpu.vector_load %arg8[%get3A_226] {strides = array<i32>} : memref<16000xi32, #tpu.memory_space<vmem>>, vector<16xi32>,
          %sub3A_228 = vector.broadcast %mul3A_2 : i32 to vector<16xi32>
          %sub3A_229 = arith.subi %get3A_223, %sub3A_228 : vector<16xi32>
          %lt3A_230 = arith.constant 320 : i32
          %lt3A_231 = vector.broadcast %lt3A_230 : i32 to vector<16xi32>
          %lt3A_232 = arith.cmpi ult, %sub3A_229, %lt3A_231 : vector<16xi32>
          %shift_left3A_233 = arith.constant 9 : i32
          %shift_left3A_234 = vector.broadcast %shift_left3A_233 : i32 to vector<16xi32>
          %shift_left3A_235 = arith.shli %get3A_227, %shift_left3A_234 : vector<16xi32>
          %or3A_236 = arith.ori %shift_left3A_235, %sub3A_229 : vector<16xi32>
          %all_reduce_population_count3A_237 = tpu.all_reduce %lt3A_232 {dim = 0 : i64, kind = #tpu.reduction_kind<sum>} : vector<16xi1> -> vector<16xi32>
          %swap3A_238 = arith.index_cast %scan3A_65 : i32 to index
          %swap3A_239 = tpu.vector_load %arg10[%swap3A_238] masked %lt3A_81 {strides = array<i32>} : memref<1184xi32, #tpu.memory_space<vmem>>, vector<16xi32>, vector<16xi1>
          tpu.vector_store %arg10[%swap3A_238], %or3A masked %lt3A_81 {strides = array<i32>} : memref<1184xi32, #tpu.memory_space<vmem>>, vector<16xi32>, vector<16xi1>
          %slice3A = vector.extract_strided_slice %all_reduce_population_count3A {offsets = [0], sizes = [1], strides = [1]} : vector<16xi32> to vector<1xi32>
          %squeeze3A = vector.extract %slice3A[0] : i32 from vector<1xi32>
          %add3A_240 = arith.addi %scan3A_65, %squeeze3A : i32
          %swap3A_241 = arith.index_cast %add3A_240 : i32 to index
          %swap3A_242 = tpu.vector_load %arg10[%swap3A_241] masked %lt3A_100 {strides = array<i32>} : memref<1184xi32, #tpu.memory_space<vmem>>, vector<16xi32>, vector<16xi1>
          tpu.vector_store %arg10[%swap3A_241], %or3A_104 masked %lt3A_100 {strides = array<i32>} : memref<1184xi32, #tpu.memory_space<vmem>>, vector<16xi32>, vector<16xi1>
          %slice3A_243 = vector.extract_strided_slice %all_reduce_population_count3A_105 {offsets = [0], sizes = [1], strides = [1]} : vector<16xi32> to vector<1xi32>
          %squeeze3A_244 = vector.extract %slice3A_243[0] : i32 from vector<1xi32>
          %add3A_245 = arith.addi %add3A_240, %squeeze3A_244 : i32
          %swap3A_246 = arith.index_cast %add3A_245 : i32 to index
          %swap3A_247 = tpu.vector_load %arg10[%swap3A_246] masked %lt3A_122 {strides = array<i32>} : memref<1184xi32, #tpu.memory_space<vmem>>, vector<16xi32>, vector<16xi1>
          tpu.vector_store %arg10[%swap3A_246], %or3A_126 masked %lt3A_122 {strides = array<i32>} : memref<1184xi32, #tpu.memory_space<vmem>>, vector<16xi32>, vector<16xi1>
          %slice3A_248 = vector.extract_strided_slice %all_reduce_population_count3A_127 {offsets = [0], sizes = [1], strides = [1]} : vector<16xi32> to vector<1xi32>
          %squeeze3A_249 = vector.extract %slice3A_248[0] : i32 from vector<1xi32>
          %add3A_250 = arith.addi %add3A_245, %squeeze3A_249 : i32
          %swap3A_251 = arith.index_cast %add3A_250 : i32 to index
          %swap3A_252 = tpu.vector_load %arg10[%swap3A_251] masked %lt3A_144 {strides = array<i32>} : memref<1184xi32, #tpu.memory_space<vmem>>, vector<16xi32>, vector<16xi1>
          tpu.vector_store %arg10[%swap3A_251], %or3A_148 masked %lt3A_144 {strides = array<i32>} : memref<1184xi32, #tpu.memory_space<vmem>>, vector<16xi32>, vector<16xi1>
          %slice3A_253 = vector.extract_strided_slice %all_reduce_population_count3A_149 {offsets = [0], sizes = [1], strides = [1]} : vector<16xi32> to vector<1xi32>
          %squeeze3A_254 = vector.extract %slice3A_253[0] : i32 from vector<1xi32>
          %add3A_255 = arith.addi %add3A_250, %squeeze3A_254 : i32
          %swap3A_256 = arith.index_cast %add3A_255 : i32 to index
          %swap3A_257 = tpu.vector_load %arg10[%swap3A_256] masked %lt3A_166 {strides = array<i32>} : memref<1184xi32, #tpu.memory_space<vmem>>, vector<16xi32>, vector<16xi1>
          tpu.vector_store %arg10[%swap3A_256], %or3A_170 masked %lt3A_166 {strides = array<i32>} : memref<1184xi32, #tpu.memory_space<vmem>>, vector<16xi32>, vector<16xi1>
          %slice3A_258 = vector.extract_strided_slice %all_reduce_population_count3A_171 {offsets = [0], sizes = [1], strides = [1]} : vector<16xi32> to vector<1xi32>
          %squeeze3A_259 = vector.extract %slice3A_258[0] : i32 from vector<1xi32>
          %add3A_260 = arith.addi %add3A_255, %squeeze3A_259 : i32
          %swap3A_261 = arith.index_cast %add3A_260 : i32 to index
          %swap3A_262 = tpu.vector_load %arg10[%swap3A_261] masked %lt3A_188 {strides = array<i32>} : memref<1184xi32, #tpu.memory_space<vmem>>, vector<16xi32>, vector<16xi1>
          tpu.vector_store %arg10[%swap3A_261], %or3A_192 masked %lt3A_188 {strides = array<i32>} : memref<1184xi32, #tpu.memory_space<vmem>>, vector<16xi32>, vector<16xi1>
          %slice3A_263 = vector.extract_strided_slice %all_reduce_population_count3A_193 {offsets = [0], sizes = [1], strides = [1]} : vector<16xi32> to vector<1xi32>
          %squeeze3A_264 = vector.extract %slice3A_263[0] : i32 from vector<1xi32>
          %add3A_265 = arith.addi %add3A_260, %squeeze3A_264 : i32
          %swap3A_266 = arith.index_cast %add3A_265 : i32 to index
          %swap3A_267 = tpu.vector_load %arg10[%swap3A_266] masked %lt3A_210 {strides = array<i32>} : memref<1184xi32, #tpu.memory_space<vmem>>, vector<16xi32>, vector<16xi1>
          tpu.vector_store %arg10[%swap3A_266], %or3A_214 masked %lt3A_210 {strides = array<i32>} : memref<1184xi32, #tpu.memory_space<vmem>>, vector<16xi32>, vector<16xi1>
          %slice3A_268 = vector.extract_strided_slice %all_reduce_population_count3A_215 {offsets = [0], sizes = [1], strides = [1]} : vector<16xi32> to vector<1xi32>
          %squeeze3A_269 = vector.extract %slice3A_268[0] : i32 from vector<1xi32>
          %add3A_270 = arith.addi %add3A_265, %squeeze3A_269 : i32
          %swap3A_271 = arith.index_cast %add3A_270 : i32 to index
          %swap3A_272 = tpu.vector_load %arg10[%swap3A_271] masked %lt3A_232 {strides = array<i32>} : memref<1184xi32, #tpu.memory_space<vmem>>, vector<16xi32>, vector<16xi1>
          tpu.vector_store %arg10[%swap3A_271], %or3A_236 masked %lt3A_232 {strides = array<i32>} : memref<1184xi32, #tpu.memory_space<vmem>>, vector<16xi32>, vector<16xi1>
          %slice3A_273 = vector.extract_strided_slice %all_reduce_population_count3A_237 {offsets = [0], sizes = [1], strides = [1]} : vector<16xi32> to vector<1xi32>
          %squeeze3A_274 = vector.extract %slice3A_273[0] : i32 from vector<1xi32>
          %add3A_275 = arith.addi %add3A_270, %squeeze3A_274 : i32
          %ge3A = arith.constant 1024 : i32
          %ge3A_276 = arith.cmpi sge, %add3A_275, %ge3A : i32
          %convert_element_type3A_277 = arith.extui %ge3A_276 : i1 to i32
          %cond3A_278 = arith.constant 0 : i32
          %cond3A_279 = arith.cmpi ne, %convert_element_type3A_277, %cond3A_278 : i32
          scf.if %cond3A_279 {
            %mul3A_284 = arith.constant 1024 : i32
            %mul3A_285 = arith.muli %scan3A_66, %mul3A_284 : i32
            "tpu.region"() ({
              %run_scoped3A = tpu.sem_alloc : memref<!tpu.dma_semaphore, #tpu.memory_space<semaphore_mem>>
              %dma_start3A_322 = arith.constant 0 : i32
              %dma_start3A_323 = tpu.memref_slice %arg10[%dma_start3A_322] : memref<1184xi32, #tpu.memory_space<vmem>> -> memref<1024xi32, #tpu.memory_space<vmem>>
              %dma_start3A_324 = tpu.memref_slice %arg4[%add3A, %mul3A_285] : memref<32x321536xi32, #tpu.memory_space<hbm>> -> memref<1x1024xi32, #tpu.memory_space<hbm>>
              %dma_start3A_325 = tpu.memref_squeeze %dma_start3A_324 : memref<1x1024xi32, #tpu.memory_space<hbm>> -> memref<1024xi32, #tpu.memory_space<hbm>>
              %dma_start3A_326 = tpu.memref_slice %arg4[%add3A, %mul3A_285] : memref<32x321536xi32, #tpu.memory_space<hbm>> -> memref<1x1024xi32, #tpu.memory_space<hbm>>
              %dma_start3A_327 = tpu.memref_squeeze %dma_start3A_326 : memref<1x1024xi32, #tpu.memory_space<hbm>> -> memref<1024xi32, #tpu.memory_space<hbm>>
              %dma_start3A_328 = arith.constant 0 : i32
              %dma_start3A_329 = tpu.memref_slice %arg10[%dma_start3A_328] : memref<1184xi32, #tpu.memory_space<vmem>> -> memref<1024xi32, #tpu.memory_space<vmem>>
              tpu.enqueue_dma source(%dma_start3A_329 : memref<1024xi32, #tpu.memory_space<vmem>>) target(%dma_start3A_327 : memref<1024xi32, #tpu.memory_space<hbm>>) target_semaphore(%run_scoped3A : memref<!tpu.dma_semaphore, #tpu.memory_space<semaphore_mem>>)
              %dma_wait3A = arith.constant 0 : i32
              %dma_wait3A_330 = tpu.memref_slice %arg10[%dma_wait3A] : memref<1184xi32, #tpu.memory_space<vmem>> -> memref<1024xi32, #tpu.memory_space<vmem>>
              %dma_wait3A_331 = tpu.memref_slice %arg4[%add3A, %mul3A_285] : memref<32x321536xi32, #tpu.memory_space<hbm>> -> memref<1x1024xi32, #tpu.memory_space<hbm>>
              %dma_wait3A_332 = tpu.memref_squeeze %dma_wait3A_331 : memref<1x1024xi32, #tpu.memory_space<hbm>> -> memref<1024xi32, #tpu.memory_space<hbm>>
              %dma_wait3A_333 = tpu.memref_slice %arg4[%add3A, %mul3A_285] : memref<32x321536xi32, #tpu.memory_space<hbm>> -> memref<1x1024xi32, #tpu.memory_space<hbm>>
              %dma_wait3A_334 = tpu.memref_squeeze %dma_wait3A_333 : memref<1x1024xi32, #tpu.memory_space<hbm>> -> memref<1024xi32, #tpu.memory_space<hbm>>
              %dma_wait3A_335 = arith.constant 0 : i32
              %dma_wait3A_336 = tpu.memref_slice %arg10[%dma_wait3A_335] : memref<1184xi32, #tpu.memory_space<vmem>> -> memref<1024xi32, #tpu.memory_space<vmem>>
              tpu.wait_dma2 semaphore(%run_scoped3A : memref<!tpu.dma_semaphore, #tpu.memory_space<semaphore_mem>>) src(%dma_wait3A_336 : memref<1024xi32, #tpu.memory_space<vmem>>) dst(%dma_wait3A_334 : memref<1024xi32, #tpu.memory_space<hbm>>)
              tpu.yield
            }) : () -> ()
            %get3A_286 = arith.constant 1024 : index
            %get3A_287 = tpu.vector_load %arg10[%get3A_286] {strides = array<i32>} : memref<1184xi32, #tpu.memory_space<vmem>>, vector<16xi32>,
            %swap3A_288 = arith.constant 0 : index
            %swap3A_289 = tpu.vector_load %arg10[%swap3A_288] {strides = array<i32>} : memref<1184xi32, #tpu.memory_space<vmem>>, vector<16xi32>,
            tpu.vector_store %arg10[%swap3A_288], %get3A_287 {strides = array<i32>} : memref<1184xi32, #tpu.memory_space<vmem>>, vector<16xi32>,
            %get3A_290 = arith.constant 1040 : index
            %get3A_291 = tpu.vector_load %arg10[%get3A_290] {strides = array<i32>} : memref<1184xi32, #tpu.memory_space<vmem>>, vector<16xi32>,
            %swap3A_292 = arith.constant 16 : index
            %swap3A_293 = tpu.vector_load %arg10[%swap3A_292] {strides = array<i32>} : memref<1184xi32, #tpu.memory_space<vmem>>, vector<16xi32>,
            tpu.vector_store %arg10[%swap3A_292], %get3A_291 {strides = array<i32>} : memref<1184xi32, #tpu.memory_space<vmem>>, vector<16xi32>,
            %get3A_294 = arith.constant 1056 : index
            %get3A_295 = tpu.vector_load %arg10[%get3A_294] {strides = array<i32>} : memref<1184xi32, #tpu.memory_space<vmem>>, vector<16xi32>,
            %swap3A_296 = arith.constant 32 : index
            %swap3A_297 = tpu.vector_load %arg10[%swap3A_296] {strides = array<i32>} : memref<1184xi32, #tpu.memory_space<vmem>>, vector<16xi32>,
            tpu.vector_store %arg10[%swap3A_296], %get3A_295 {strides = array<i32>} : memref<1184xi32, #tpu.memory_space<vmem>>, vector<16xi32>,
            %get3A_298 = arith.constant 1072 : index
            %get3A_299 = tpu.vector_load %arg10[%get3A_298] {strides = array<i32>} : memref<1184xi32, #tpu.memory_space<vmem>>, vector<16xi32>,
            %swap3A_300 = arith.constant 48 : index
            %swap3A_301 = tpu.vector_load %arg10[%swap3A_300] {strides = array<i32>} : memref<1184xi32, #tpu.memory_space<vmem>>, vector<16xi32>,
            tpu.vector_store %arg10[%swap3A_300], %get3A_299 {strides = array<i32>} : memref<1184xi32, #tpu.memory_space<vmem>>, vector<16xi32>,
            %get3A_302 = arith.constant 1088 : index
            %get3A_303 = tpu.vector_load %arg10[%get3A_302] {strides = array<i32>} : memref<1184xi32, #tpu.memory_space<vmem>>, vector<16xi32>,
            %swap3A_304 = arith.constant 64 : index
            %swap3A_305 = tpu.vector_load %arg10[%swap3A_304] {strides = array<i32>} : memref<1184xi32, #tpu.memory_space<vmem>>, vector<16xi32>,
            tpu.vector_store %arg10[%swap3A_304], %get3A_303 {strides = array<i32>} : memref<1184xi32, #tpu.memory_space<vmem>>, vector<16xi32>,
            %get3A_306 = arith.constant 1104 : index
            %get3A_307 = tpu.vector_load %arg10[%get3A_306] {strides = array<i32>} : memref<1184xi32, #tpu.memory_space<vmem>>, vector<16xi32>,
            %swap3A_308 = arith.constant 80 : index
            %swap3A_309 = tpu.vector_load %arg10[%swap3A_308] {strides = array<i32>} : memref<1184xi32, #tpu.memory_space<vmem>>, vector<16xi32>,
            tpu.vector_store %arg10[%swap3A_308], %get3A_307 {strides = array<i32>} : memref<1184xi32, #tpu.memory_space<vmem>>, vector<16xi32>,
            %get3A_310 = arith.constant 1120 : index
            %get3A_311 = tpu.vector_load %arg10[%get3A_310] {strides = array<i32>} : memref<1184xi32, #tpu.memory_space<vmem>>, vector<16xi32>,
            %swap3A_312 = arith.constant 96 : index
            %swap3A_313 = tpu.vector_load %arg10[%swap3A_312] {strides = array<i32>} : memref<1184xi32, #tpu.memory_space<vmem>>, vector<16xi32>,
            tpu.vector_store %arg10[%swap3A_312], %get3A_311 {strides = array<i32>} : memref<1184xi32, #tpu.memory_space<vmem>>, vector<16xi32>,
            %get3A_314 = arith.constant 1136 : index
            %get3A_315 = tpu.vector_load %arg10[%get3A_314] {strides = array<i32>} : memref<1184xi32, #tpu.memory_space<vmem>>, vector<16xi32>,
            %swap3A_316 = arith.constant 112 : index
            %swap3A_317 = tpu.vector_load %arg10[%swap3A_316] {strides = array<i32>} : memref<1184xi32, #tpu.memory_space<vmem>>, vector<16xi32>,
            tpu.vector_store %arg10[%swap3A_316], %get3A_315 {strides = array<i32>} : memref<1184xi32, #tpu.memory_space<vmem>>, vector<16xi32>,
            %get3A_318 = arith.constant 1152 : index
            %get3A_319 = tpu.vector_load %arg10[%get3A_318] {strides = array<i32>} : memref<1184xi32, #tpu.memory_space<vmem>>, vector<16xi32>,
            %swap3A_320 = arith.constant 128 : index
            %swap3A_321 = tpu.vector_load %arg10[%swap3A_320] {strides = array<i32>} : memref<1184xi32, #tpu.memory_space<vmem>>, vector<16xi32>,
            tpu.vector_store %arg10[%swap3A_320], %get3A_319 {strides = array<i32>} : memref<1184xi32, #tpu.memory_space<vmem>>, vector<16xi32>,
          } else {
          }
          %sub3A_280 = arith.constant 1024 : i32
          %sub3A_281 = arith.subi %add3A_275, %sub3A_280 : i32
          %select_n3A = arith.select %ge3A_276, %sub3A_281, %add3A_275 : i32
          %convert_element_type3A_282 = arith.extui %ge3A_276 : i1 to i32
          %add3A_283 = arith.addi %scan3A_66, %convert_element_type3A_282 : i32
          scf.yield %select_n3A, %add3A_283 : i32, i32
        }
        %scan3A_63 = arith.constant 125 : i32
        scf.yield %scan3A_62#0, %scan3A_62#1 : i32, i32
      } else {
        scf.yield %cond3A_42#0, %cond3A_42#1 : i32, i32
      }
      scf.yield %cond3A_57#0, %cond3A_57#1 : i32, i32
    }
    %scan3A_16 = arith.constant 10 : i32
    %iota3A = tpu.iota {dimensions = array<i32: 0>} : vector<16xi32>
    %scan3A_17 = arith.constant 0 : i32
    %scan3A_18 = arith.constant 74 : i32
    %scan3A_19 = arith.addi %scan3A_17, %scan3A_18 : i32
    %scan3A_20 = arith.constant 1 : i32
    scf.for %scan3A_28 = %scan3A_17 to %scan3A_19 step %scan3A_20  : i32 {
      %mul3A_29 = arith.constant 1 : i32
      %mul3A_30 = arith.muli %scan3A_28, %mul3A_29 : i32
      %add3A_31 = arith.constant 0 : i32
      %add3A_32 = arith.addi %add3A_31, %mul3A_30 : i32
      %mul3A_33 = arith.constant 16 : i32
      %mul3A_34 = arith.muli %add3A_32, %mul3A_33 : i32
      %add3A_35 = vector.broadcast %mul3A_34 : i32 to vector<16xi32>
      %add3A_36 = arith.addi %add3A_35, %iota3A : vector<16xi32>
      %ge3A = vector.broadcast %scan3A_15#0 : i32 to vector<16xi32>
      %ge3A_37 = arith.cmpi sge, %add3A_36, %ge3A : vector<16xi32>
      %get3A = arith.index_cast %mul3A_34 : i32 to index
      %get3A_38 = tpu.vector_load %arg10[%get3A] {strides = array<i32>} : memref<1184xi32, #tpu.memory_space<vmem>>, vector<16xi32>,
      %jit3A = arith.constant 511 : i32
      %broadcast_in_dim3A_39 = vector.broadcast %jit3A : i32 to vector<16xi32>
      %select_n3A = arith.select %ge3A_37, %broadcast_in_dim3A_39, %get3A_38 : vector<16xi1>, vector<16xi32>
      %swap3A_40 = arith.index_cast %mul3A_34 : i32 to index
      %swap3A_41 = tpu.vector_load %arg10[%swap3A_40] {strides = array<i32>} : memref<1184xi32, #tpu.memory_space<vmem>>, vector<16xi32>,
      tpu.vector_store %arg10[%swap3A_40], %select_n3A {strides = array<i32>} : memref<1184xi32, #tpu.memory_space<vmem>>, vector<16xi32>,
    }
    %scan3A_21 = arith.constant 74 : i32
    %mul3A_22 = arith.constant 1024 : i32
    %mul3A_23 = arith.muli %scan3A_15#1, %mul3A_22 : i32
    "tpu.region"() ({
      %run_scoped3A = tpu.sem_alloc : memref<!tpu.dma_semaphore, #tpu.memory_space<semaphore_mem>>
      %dma_start3A_28 = arith.constant 0 : i32
      %dma_start3A_29 = tpu.memref_slice %arg10[%dma_start3A_28] : memref<1184xi32, #tpu.memory_space<vmem>> -> memref<1024xi32, #tpu.memory_space<vmem>>
      %dma_start3A_30 = tpu.memref_slice %arg4[%add3A, %mul3A_23] : memref<32x321536xi32, #tpu.memory_space<hbm>> -> memref<1x1024xi32, #tpu.memory_space<hbm>>
      %dma_start3A_31 = tpu.memref_squeeze %dma_start3A_30 : memref<1x1024xi32, #tpu.memory_space<hbm>> -> memref<1024xi32, #tpu.memory_space<hbm>>
      %dma_start3A_32 = tpu.memref_slice %arg4[%add3A, %mul3A_23] : memref<32x321536xi32, #tpu.memory_space<hbm>> -> memref<1x1024xi32, #tpu.memory_space<hbm>>
      %dma_start3A_33 = tpu.memref_squeeze %dma_start3A_32 : memref<1x1024xi32, #tpu.memory_space<hbm>> -> memref<1024xi32, #tpu.memory_space<hbm>>
      %dma_start3A_34 = arith.constant 0 : i32
      %dma_start3A_35 = tpu.memref_slice %arg10[%dma_start3A_34] : memref<1184xi32, #tpu.memory_space<vmem>> -> memref<1024xi32, #tpu.memory_space<vmem>>
      tpu.enqueue_dma source(%dma_start3A_35 : memref<1024xi32, #tpu.memory_space<vmem>>) target(%dma_start3A_33 : memref<1024xi32, #tpu.memory_space<hbm>>) target_semaphore(%run_scoped3A : memref<!tpu.dma_semaphore, #tpu.memory_space<semaphore_mem>>)
      %dma_wait3A = arith.constant 0 : i32
      %dma_wait3A_36 = tpu.memref_slice %arg10[%dma_wait3A] : memref<1184xi32, #tpu.memory_space<vmem>> -> memref<1024xi32, #tpu.memory_space<vmem>>
      %dma_wait3A_37 = tpu.memref_slice %arg4[%add3A, %mul3A_23] : memref<32x321536xi32, #tpu.memory_space<hbm>> -> memref<1x1024xi32, #tpu.memory_space<hbm>>
      %dma_wait3A_38 = tpu.memref_squeeze %dma_wait3A_37 : memref<1x1024xi32, #tpu.memory_space<hbm>> -> memref<1024xi32, #tpu.memory_space<hbm>>
      %dma_wait3A_39 = tpu.memref_slice %arg4[%add3A, %mul3A_23] : memref<32x321536xi32, #tpu.memory_space<hbm>> -> memref<1x1024xi32, #tpu.memory_space<hbm>>
      %dma_wait3A_40 = tpu.memref_squeeze %dma_wait3A_39 : memref<1x1024xi32, #tpu.memory_space<hbm>> -> memref<1024xi32, #tpu.memory_space<hbm>>
      %dma_wait3A_41 = arith.constant 0 : i32
      %dma_wait3A_42 = tpu.memref_slice %arg10[%dma_wait3A_41] : memref<1184xi32, #tpu.memory_space<vmem>> -> memref<1024xi32, #tpu.memory_space<vmem>>
      tpu.wait_dma2 semaphore(%run_scoped3A : memref<!tpu.dma_semaphore, #tpu.memory_space<semaphore_mem>>) src(%dma_wait3A_42 : memref<1024xi32, #tpu.memory_space<vmem>>) dst(%dma_wait3A_40 : memref<1024xi32, #tpu.memory_space<hbm>>)
      tpu.yield
    }) : () -> ()
    %mul3A_24 = arith.constant 1024 : i32
    %mul3A_25 = arith.muli %scan3A_15#1, %mul3A_24 : i32
    %add3A_26 = arith.addi %mul3A_25, %scan3A_15#0 : i32
    %broadcast_in_dim3A = vector.broadcast %add3A_26 : i32 to vector<16xi32>
    %swap3A = arith.constant 0 : index
    %swap3A_27 = tpu.vector_load %arg11[%swap3A] {strides = array<i32>} : memref<16xi32, #tpu.memory_space<vmem>>, vector<16xi32>,
    tpu.vector_store %arg11[%swap3A], %broadcast_in_dim3A {strides = array<i32>} : memref<16xi32, #tpu.memory_space<vmem>>, vector<16xi32>,
    "tpu.region"() ({
      %run_scoped3A = tpu.sem_alloc : memref<!tpu.dma_semaphore, #tpu.memory_space<semaphore_mem>>
      %dma_start3A_28 = arith.constant 0 : i32
      %dma_start3A_29 = tpu.memref_slice %arg5[%add3A, %dma_start3A_28] : memref<32x16xi32, #tpu.memory_space<hbm>> -> memref<1x16xi32, #tpu.memory_space<hbm>>
      %dma_start3A_30 = tpu.memref_squeeze %dma_start3A_29 : memref<1x16xi32, #tpu.memory_space<hbm>> -> memref<16xi32, #tpu.memory_space<hbm>>
      %dma_start3A_31 = arith.constant 0 : i32
      %dma_start3A_32 = tpu.memref_slice %arg5[%add3A, %dma_start3A_31] : memref<32x16xi32, #tpu.memory_space<hbm>> -> memref<1x16xi32, #tpu.memory_space<hbm>>
      %dma_start3A_33 = tpu.memref_squeeze %dma_start3A_32 : memref<1x16xi32, #tpu.memory_space<hbm>> -> memref<16xi32, #tpu.memory_space<hbm>>
      tpu.enqueue_dma source(%arg11 : memref<16xi32, #tpu.memory_space<vmem>>) target(%dma_start3A_33 : memref<16xi32, #tpu.memory_space<hbm>>) target_semaphore(%run_scoped3A : memref<!tpu.dma_semaphore, #tpu.memory_space<semaphore_mem>>)
      %dma_wait3A = arith.constant 0 : i32
      %dma_wait3A_34 = tpu.memref_slice %arg5[%add3A, %dma_wait3A] : memref<32x16xi32, #tpu.memory_space<hbm>> -> memref<1x16xi32, #tpu.memory_space<hbm>>
      %dma_wait3A_35 = tpu.memref_squeeze %dma_wait3A_34 : memref<1x16xi32, #tpu.memory_space<hbm>> -> memref<16xi32, #tpu.memory_space<hbm>>
      %dma_wait3A_36 = arith.constant 0 : i32
      %dma_wait3A_37 = tpu.memref_slice %arg5[%add3A, %dma_wait3A_36] : memref<32x16xi32, #tpu.memory_space<hbm>> -> memref<1x16xi32, #tpu.memory_space<hbm>>
      %dma_wait3A_38 = tpu.memref_squeeze %dma_wait3A_37 : memref<1x16xi32, #tpu.memory_space<hbm>> -> memref<16xi32, #tpu.memory_space<hbm>>
      tpu.wait_dma2 semaphore(%run_scoped3A : memref<!tpu.dma_semaphore, #tpu.memory_space<semaphore_mem>>) src(%arg11 : memref<16xi32, #tpu.memory_space<vmem>>) dst(%dma_wait3A_38 : memref<16xi32, #tpu.memory_space<hbm>>)
      tpu.yield
    }) : () -> ()
    return
  }
}

</mosaic_0001>

<sc_bundles>
// kernel: _scan.3.cloned.1.call-start
scs
__scs_entry_jumppad:
0x0: {  	(pc) =	sbr.rel $0x88, $3  }
0x1: {  	(tag) =	ssettag $0x0;
	lr =	simm.s32 $0x1  }
0x2: {  	[smem:$0x3F9F] =	sst lr;
	_ =	strace $0xD0000000  }
0x3: {  	_ = 	snop  }
0x4: {  	_ = 	snop  }
0x5: {  	_ = 	snop  }
0x6: {  	_ = 	snop  }
0x7: {  	_ = 	snop  }
__scs_overlays_trampoline_lowered:
0x8: {  	[smem:$0x3FAE] =	sst s0  }
0x9: {  	[smem:$0x3FAF] =	sst s1  }
0xa: {  	[smem:$0x3FB0] =	sst s2  }
0xb: {  	[smem:$0x3FB1] =	sst s3  }
0xc: {  	[smem:$0x3FB2] =	sst s4  }
0xd: {  	[smem:$0x3FB3] =	sst s5  }
0xe: {  	[smem:$0x3FB4] =	sst s6  }
0xf: {  	[smem:$0x3FB5] =	sst s7  }
0x10: {  	[smem:$0x3FB6] =	sst s8  }
0x11: {  	[smem:$0x3FB7] =	sst s9;
	s0 =	simm.s32 @!p0 $0x0  }
0x12: {  	s1 =	sld [smem:$0x3F9D];
	s0 =	simm.s32 @p0 $0x1  }
0x13: {  	[smem:$0x3FB8] =	sst s0;
	s0 =	simm.s32 @!p1 $0x0  }
0x14: {  	s2 =	sld [smem:$0x3F9C];
	s0 =	simm.s32 @p1 $0x1  }
0x15: {  	[smem:$0x3FB9] =	sst s0;
	s0 =	simm.s32 @!p2 $0x0  }
0x16: {  	s3 =	sld [smem:$0x3FDB];
	s0 =	simm.s32 @p2 $0x1  }
0x17: {  	s4 =	simm.s32 $0x1BF5;
	[smem:$0x3FBB] =	sst s0  }
0x18: {  	s0 =	sld [smem:$0x3F9E];
	_ =	swait.ge [sflag:s4], $0x0  }
0x19: {  	s7 =	sld [smem:$0x3F9F]  }
0x1a: {  	s8 =	sadd.s32 $0xFFFFE003, lr  }
0x1b: {  	s9 =	sadd.s32 $0xFFFFFEF7, lr;
	s5 =	simm.s32 $0xFFFFFFFF;
	p2 =	slt.u32 s8, $0xFFFFF086  }
0x1c: {  	p1 =	slt.u32 s9, $0xF7A;
	s5 =	simm.s32 @!p2 $0x0  }
0x1d: {  	s5 =	simm.s32 @p1 $0x1;
	p0 =	seq.s32 s7, s2  }
0x1e: {  	s7 =	smul.u32 @!p0 $0xF7A, s2;
	p2 =	seq.s32 @!p0 s5, $0x0  }
0x1f: {  	s9 =	smul.u32 $0xF7A, s1;
	s8 =	simm.s32 @!p0 $0x1BF5;
	p2 =	por !p2, p0  }
0x20: {  	[sflag:s8] =	ssyncset.s32 @!p0 $0xFFFFF086;
	s6 =	sadd.s32 @!p0 s3, s7;
	s7 =	simm.s32 @!p0 $0x108  }
0x21: {  	s3 =	sadd.s32 s3, s9;
	s6 =	sadd.s32 @!p0 $0x88, s6;
	s7 =	simm.s32 @p2 $0x1082  }
0x22: {  	[simem:s7], [sflag:s8] =	dma.local @!p0 [hbm:s6], $0xF7A  }
0x23: {  	s9 =	sor.u32 $0xD0000000, s2;
	s6 =	simm.s32 $0x108;
	_ =	swait.ge @!p0 [sflag:s8], $0x0  }
0x24: {  	s3 =	sadd.s32 $0x88, s3;
	s6 =	simm.s32 @!p1 $0x1082;
	[sflag:s4] =	ssyncset.s32 $0xFFFFF086  }
0x25: {  	[simem:s6], [sflag:s4] =	dma.local [hbm:s3], $0xF7A  }
0x26: {  	[smem:$0x3F9F] =	sst s1;
	(tag) =	ssettag s2;
	_ =	strace s9  }
0x27: {  	s1 =	sld [smem:$0x3FAF]  }
0x28: {  	s2 =	sld [smem:$0x3FB0]  }
0x29: {  	s4 =	sld [smem:$0x3FB2]  }
0x2a: {  	p0 =	seq.s32 s5, $0x0;
	s5 =	sld [smem:$0x3FB3]  }
0x2b: {  	s6 =	sld [smem:$0x3FB4]  }
0x2c: {  	s7 =	sld [smem:$0x3FB5]  }
0x2d: {  	s3 =	simm.s32 $0x108;
	s8 =	sld [smem:$0x3FB6]  }
0x2e: {  	s3 =	simm.s32 @!p0 $0x1082;
	s9 =	sld [smem:$0x3FB7]  }
0x2f: {  	lr =	sadd.s32 s0, s3;
	s0 =	sld [smem:$0x3FAE]  }
0x30: {  	s3 =	sld [smem:$0x3FB1]  }
0x31: {  	[smem:$0x3FBA] =	sst s10  }
0x32: {  	s10 =	sld [smem:$0x3FB8];
	_ =	sdelay $0x3  }
0x33: {  	p0 =	seq.s32 s10, $0x1;
	s10 =	sld [smem:$0x3FBA];
	_ =	sdelay $0x3  }
0x34: {  	[smem:$0x3FBA] =	sst s10  }
0x35: {  	s10 =	sld [smem:$0x3FB9];
	_ =	sdelay $0x3  }
0x36: {  	p1 =	seq.s32 s10, $0x1;
	s10 =	sld [smem:$0x3FBA];
	_ =	sdelay $0x3  }
0x37: {  	[smem:$0x3FBA] =	sst s10  }
0x38: {  	s10 =	sld [smem:$0x3FBB]  }
0x39: {  	_ = 	snop;
	(pc) =	sbr.ind lr, $3  }
0x3a: {  	_ = 	snop  }
0x3b: {  	_ = 	snop  }
0x3c: {  	p2 =	seq.s32 s10, $0x1;
	s10 =	sld [smem:$0x3FBA]  }
0x3d: {  	_ =	shalt  }
0x3e: {  	_ =	shalt  }
0x3f: {  	_ =	shalt  }
0x40: {  	_ =	shalt  }
0x41: {  	_ =	shalt  }
0x42: {  	_ =	shalt  }
0x43: {  	_ =	shalt  }
0x44: {  	_ =	shalt  }
0x45: {  	_ =	shalt  }
0x46: {  	_ =	shalt  }
0x47: {  	_ =	shalt  }
0x48: {  	_ =	shalt  }
0x49: {  	_ =	shalt  }
0x4a: {  	_ =	shalt  }
0x4b: {  	_ =	shalt  }
0x4c: {  	_ =	shalt  }
0x4d: {  	_ =	shalt  }
0x4e: {  	_ =	shalt  }
0x4f: {  	_ =	shalt  }
0x50: {  	_ =	shalt  }
0x51: {  	_ =	shalt  }
0x52: {  	_ =	shalt  }
0x53: {  	_ =	shalt  }
0x54: {  	_ =	shalt  }
0x55: {  	_ =	shalt  }
0x56: {  	_ =	shalt  }
0x57: {  	_ =	shalt  }
0x58: {  	_ =	shalt  }
0x59: {  	_ =	shalt  }
0x5a: {  	_ =	shalt  }
0x5b: {  	_ =	shalt  }
0x5c: {  	_ =	shalt  }
0x5d: {  	_ =	shalt  }
0x5e: {  	_ =	shalt  }
0x5f: {  	_ =	shalt  }
0x60: {  	_ =	shalt  }
0x61: {  	_ =	shalt  }
0x62: {  	_ =	shalt  }
0x63: {  	_ =	shalt  }
0x64: {  	_ =	shalt  }
0x65: {  	_ =	shalt  }
0x66: {  	_ =	shalt  }
0x67: {  	_ =	shalt  }
0x68: {  	_ =	shalt  }
0x69: {  	_ =	shalt  }
0x6a: {  	_ =	shalt  }
0x6b: {  	_ =	shalt  }
0x6c: {  	_ =	shalt  }
0x6d: {  	_ =	shalt  }
0x6e: {  	_ =	shalt  }
0x6f: {  	_ =	shalt  }
0x70: {  	_ =	shalt  }
0x71: {  	_ =	shalt  }
0x72: {  	_ =	shalt  }
0x73: {  	_ =	shalt  }
0x74: {  	_ =	shalt  }
0x75: {  	_ =	shalt  }
0x76: {  	_ =	shalt  }
0x77: {  	_ =	shalt  }
0x78: {  	_ =	shalt  }
0x79: {  	_ =	shalt  }
0x7a: {  	_ =	shalt  }
0x7b: {  	_ =	shalt  }
0x7c: {  	_ =	shalt  }
0x7d: {  	_ =	shalt  }
0x7e: {  	_ =	shalt  }
0x7f: {  	_ =	shalt  }
0x80: {  	_ =	shalt  }
0x81: {  	_ =	shalt  }
0x82: {  	_ =	shalt  }
0x83: {  	_ =	shalt  }
0x84: {  	_ =	shalt  }
0x85: {  	_ =	shalt  }
0x86: {  	_ =	shalt  }
0x87: {  	_ =	shalt  }
.Lfunc_end0:
.L_simem_size_0:
called_computation_lowered:
.L_overlay_start_0:
0x88: {  	s2 =	sld [smem:$0x3FD9]  }
0x89: {  	s3 =	sld [smem:$0x3FFE];
	_ =	sdelay $0x1  }
0x8a: {  	s1 =	srdreg.scid  }
0x8b: {  	s0 =	sand.u32 $0x1, s1  }
0x8c: {  	s14 =	sshll.u32 s0, $0xA;
	s2 =	sadd.s32 s3, s2  }
0x8d: {  	s2 =	sadd.s32 s2, s14  }
0x8e: {  	[smem:$0x3FC6] =	sst s2  }
0x8f: {  	_ = 	snop  }
0x90: {  	s2 =	sld [smem:$0x3FD0];
	_ =	sdelay $0x1  }
0x91: {  	s15 =	sld [smem:$0x3FC9]  }
0x92: {  	s5 =	simm.s32 $0xA;
	s6 =	simm.s32 $0x10;
	s4 =	sld [smem:$0x3FC8]  }
0x93: {  	[smem:s6], [sflag:s5] =	dma.local [hbm:s2], $0x1  }
0x94: {  	_ =	swait.eq [sflag:s5], $0x1  }
0x95: {  	[sflag:s5] =	ssyncset.done $0x0  }
0x96: {  	[sflag:s5] =	ssyncadd.s32 $0xFFFFFFFF  }
0x97: {  	s16 =	sld [smem:$0x10];
	(tm) =	ssettm $0x1  }
0x98: {  	s17 =	sld [smem:$0x3FFB];
	_ =	sdelay $0x3  }
0x99: {  	_ =	strace s17  }
0x9a: {  	s5 =	sld [smem:$0x3FFC];
	_ =	sdelay $0x3  }
0x9b: {  	_ =	strace s5  }
0x9c: {  	s5 =	sld [smem:$0x3FFD];
	_ =	sdelay $0x3  }
0x9d: {  	_ =	strace s5  }
0x9e: {  	_ =	strace $0x8FFFFFFF  }
0x9f: {  	s18 =	sld [smem:$0x3FDB];
	_ =	sdelay $0x1  }
0xa0: {  	s19 =	simm.s32 $_scs_section_size  }
0xa1: {  	s7 =	simm.s32 $_size__tile_overlayer_lowered;
	s8 =	simm.s32 $_tile_overlayer_lowered  }
0xa2: {  	s22 =	simm.s32 $0x1BFF;
	s21 =	sshll.u32 s8, $0x1;
	s5 =	sadd.s32 s19, s18  }
0xa3: {  	s9 =	simm.s32 $0x0;
	s20 =	sshll.u32 s7, $0x1;
	s7 =	sadd.s32 s21, s5  }
0xa4: {  	[timem:s9], [sflag:s22] =	dma.local [hbm:s7], s20  }
0xa5: {  	_ =	swait.ge [sflag:s22], s20  }
0xa6: {  	s6 =	ssub.s32 $0x0, s20;
	[sflag:s22] =	ssyncset.done $0x0  }
0xa7: {  	[sflag:s22] =	ssyncadd.s32 s6;
	_ =	sdelay $0x1  }
0xa8: {  	s23 =	simm.s32 $0x1B8B  }
0xa9: {  	_ =	swait.ge [sflag:s23], $0x1  }
0xaa: {  	[sflag:s23] =	ssyncset.done $0x0  }
0xab: {  	s25 =	simm.s32 $0x1B8E;
	s24 =	sld [smem:$0x3FFE];
	[sflag:s23] =	ssyncadd.s32 $0xFFFFFFFF  }
0xac: {  	s26 =	simm.s32 $execute0_lowered;
	[smem:$0x3FD2] =	sst s25  }
0xad: {  	s7 =	sshll.u32 s26, $0x1;
	_ =	strace $0x80000046;
	[dreg:$0x1] =	wrdreg $0xFFFFFFFF  }
0xae: {  	s28 =	simm.s32 $_size_execute0_lowered;
	s5 =	sadd.s32 s5, s7;
	[dreg:$0x0] =	wrdreg $0x0  }
0xaf: {  	s7 =	sshll.u32 s28, $0x1;
	[dreg:$0x2] =	wrdreg s5  }
0xb0: {  	[dreg:$0x3] =	wrdreg s7  }
0xb1: {  	[dreg:$0x4] =	wrdreg $0xC0  }
0xb2: {  	_ =	task [dreg:s9], $0x5FFFF  }
0xb3: {  	[dreg:$0x1] =	wrdreg $0xFFFFFFFF  }
0xb4: {  	[dreg:$0x0] =	wrdreg $0x60  }
0xb5: {  	[dreg:$0x2] =	wrdreg s15  }
0xb6: {  	[dreg:$0x3] =	wrdreg s4  }
0xb7: {  	[dreg:$0x4] =	wrdreg s16  }
0xb8: {  	[dreg:$0x5] =	wrdreg s24  }
0xb9: {  	[dreg:$0x6] =	wrdreg $0x9  }
0xba: {  	_ =	task.clear_ibuf [dreg:s9], $0x7FFFF;
	_ =	strace $0x90000046  }
0xbb: {  	s29 =	simm.s32 $0x9;
	_ =	strace $0x80000048  }
0xbc: {  	_ =	swait.ge [sflag:s29], $0x1  }
0xbd: {  	[sflag:s29] =	ssyncadd.s32 $0xFFFFFFFF  }
0xbe: {  	_ =	strace $0x90000048  }
0xbf: {  	_ =	sfence  }
0xc0: {  	s30 =	sld [smem:$0x0];
	_ =	sdelay $0x2  }
0xc1: {  	s31 =	sshll.u32 s1, $0xD;
	s1 =	sshrl.u32 s1, $0x2  }
0xc2: {  	s3 =	sand.u32 $0x4000, s31;
	s1 =	sadd.s32 s1, s30  }
0xc3: {  	s0 =	sor.u32 s3, s0;
	s1 =	sshll.u32 s1, $0x11  }
0xc4: {  	s0 =	sor.u32 s1, s0  }
0xc5: {  	s0 =	sadd.s32 $0x8F2B, s0  }
0xc6: {  	[sflag:s0] =	ssyncadd.remote.s32 $0x1  }
0xc7: {  	_ =	sfence.sel $0xFFFF  }
0xc8: {  	[dreg:$0x0] =	wrdreg $0xFFFFFFFF;
	(pc) =	sbr.abs _section_cstart, $3  }
0xc9: {  	[dreg:$0x1] =	wrdreg $0xFFFFFFFF  }
0xca: {  	_ =	task.clear_ibuf [dreg:s9], $0x2FFFF;
	_ =	strace $0x9FFFFFFF  }
0xcb: {  	(tm) =	ssettm $0x7FFFFFFF  }
tec
execute0_lowered:
.L_overlay_start_1:
0x0: {  	(tag) =	ssettag $0x1  }
0x1: {  	s1 =	rddreg [dreg:$0x0]  }
0x2: {  	s2 =	rddreg [dreg:$0x1]  }
0x3: {  	s3 =	srdreg.scid;
	s4 =	rddreg [dreg:$0x2]  }
0x4: {  	s0 =	stileid.u32;
	s7 =	rddreg [dreg:$0x3]  }
0x5: {  	s5 =	simm.s32 $0x0;
	s13 =	simm.s32 $0x2;
	s14 =	simm.s32 $0x80  }
0x6: {  	s15 =	simm.s32 $0x400;
	s16 =	simm.s32 $0xFA00;
	s18 =	simm.s32 $0xFF00  }
0x7: {  	s19 =	simm.s32 $0x0;
	s6 =	sand.u32 $0x1, s3;
	s3 =	rddreg [dreg:$0x4]  }
0x8: {  	s30 =	sshll.u32 s0, $0x1;
	s9 =	sshrl.u32 s0, $0x2;
	[smem:$0x7FF] =	sst s5  }
0x9: {  	s8 =	sor.u32 s6, s30;
	s11 =	sshll.u32 s9, $0xA;
	s6 =	ssub.s32 $0x2, s6  }
0xa: {  	s9 =	smul.u32 $0x274000, s9;
	_ =	strace $0x80000047;
	s10 =	sshll.u32 s8, $0x7  }
0xb: {  	s12 =	sshrl.u32 s6, $0x1;
	s17 =	smul.u32 $0x140, s8;
	s10 =	sand.u32 $0x380, s10  }
0xc: {  	s31 =	ssub.s32 s6, s12;
	s12 =	simm.s32 $0xBB80;
	s11 =	sor.u32 s11, s10  }
0xd: {  	s6 =	sor.u32 s10, s9;
	s8 =	smax.u32 s31, $0x1;
	s11 =	sshrl.u32 s11, $0x3  }
0xe: {  	s9 =	simm.s32 $0x3E80;
	s10 =	simm.s32 $0x1;
	s7 =	sadd.s32 s11, s7  }
0xf: {  	v1 =	vlaneseq.u32;
	v0 =	vmov s17;
	s17 =	simm.s32 $0x3;
	s11 =	simm.s32 $0x7D00;
	s7 =	sadd.s32 $0x800, s7  }
.LBB2_1:
0x10: {  	[tilespmem:s5], [sflag:$0x1] =	stream.linear.gather [hbm4b:s1+s5], $0x3E80, $0x38;
	[tilespmem:$0xFF80] =	vst v63  }
0x11: {  	s21 =	simm.s32 $0x0;
	s23 =	simm.s32 $0x0;
	s20 =	simm.s32 $0x0  }
0x12: {  	[tilespmem:s9], [sflag:$0x1] =	stream.linear.gather [hbm4b:s2+s5], $0x3E80, $0x38;
	[tilespmem:$0xFF80] =	vst v63  }
.LBB2_2:
0x13: {  	_ =	swait.ge [sflag:s10], $0x3E80  }
0x14: {  	s22 =	smul.u32 $0x7D00, s20;
	[sflag:s10] =	ssyncset.done $0x0  }
0x15: {  	[sflag:s10] =	ssyncadd.s32 $0xFFFFC180  }
0x16: {  	s24 =	sshrl.u32 s22, $0x3;
	_ =	swait.ge [sflag:s10], $0x3E80  }
0x17: {  	s24 =	sadd.s32 $0x7D0, s24;
	[sflag:s10] =	ssyncset.done $0x0  }
0x18: {  	s26 =	simm.s32 $0x0;
	s25 =	sadd.s32 s1, s24;
	[sflag:s10] =	ssyncadd.s32 $0xFFFFC180  }
0x19: {  	[tilespmem:s11], [sflag:$0x2] =	stream.linear.gather [hbm4b:s25+s26], $0x3E80, $0x38;
	[tilespmem:$0xFF80] =	vst v63  }
0x1a: {  	s31 =	simm.s32 $0x0;
	s24 =	sadd.s32 s2, s24  }
0x1b: {  	[tilespmem:s12], [sflag:$0x2] =	stream.linear.gather [hbm4b:s24+s26], $0x3E80, $0x38;
	[tilespmem:$0xFF80] =	vst v63  }
0x1c: {  	v2 =	vld [tilespmem:s31+$0x3E80]  }
0x1d: {  	v3 =	vld [tilespmem:s31+$0x3E90]  }
0x1e: {  	v4 =	vld [tilespmem:s31+$0x3EA0]  }
0x1f: {  	v5 =	vld [tilespmem:s31+$0x3EB0]  }
0x20: {  	v6 =	vld [tilespmem:s31+$0x3EC0]  }
0x21: {  	v7 =	vld [tilespmem:s31+$0x3ED0]  }
0x22: {  	v9 =	vld [tilespmem:s31+$0x3EE0]  }
0x23: {  	v12 =	vld [tilespmem:s31+$0x3EF0]  }
0x24: {  	v2 =	vsub.s32 v2, v0  }
0x25: {  	v3 =	vsub.s32 v3, v0;
	v4 =	vsub.s32 v4, v0;
	v5 =	vsub.s32 v5, v0  }
0x26: {  	v6 =	vsub.s32 v6, v0;
	v7 =	vsub.s32 v7, v0;
	vm2 =	vlt.u32 v2, $0x140  }
0x27: {  	v54 =	vsub.s32 v9, v0;
	vm3 =	vlt.u32 v3, $0x140;
	v8 =	vmpcnt.ones.xlane vm2  }
0x28: {  	v56 =	vsub.s32 v12, v0;
	vm0 =	vlt.u32 v4, $0x140;
	v10 =	vmpcnt.ones.xlane vm3  }
0x29: {  	vm1 =	vlt.u32 v5, $0x140;
	v11 =	vmpcnt.ones.xlane vm0;
	(v2sf) =	vpush v8, $0x0  }
0x2a: {  	vm6 =	vlt.u32 v6, $0x140;
	v52 =	vmpcnt.ones.xlane vm1;
	(v2sf) =	vpush v10, $0x0  }
0x2b: {  	vm4 =	vlt.u32 v7, $0x140;
	v53 =	vmpcnt.ones.xlane vm6;
	(v2sf) =	vpush v11, $0x0  }
0x2c: {  	vm7 =	vlt.u32 v54, $0x140;
	v55 =	vmpcnt.ones.xlane vm4;
	(v2sf) =	vpush v52, $0x0  }
0x2d: {  	vm5 =	vlt.u32 v56, $0x140;
	v57 =	vmpcnt.ones.xlane vm7;
	(v2sf) =	vpush v53, $0x0  }
0x2e: {  	v58 =	vmpcnt.ones.xlane vm5;
	(v2sf) =	vpush v55, $0x0  }
0x2f: {  	(v2sf) =	vpush v57, $0x0  }
0x30: {  	(v2sf) =	vpush v58, $0x0;
	_ =	sdelay $0x5  }
0x31: {  	v60 =	vld [tilespmem:s31+$0x0]  }
0x32: {  	v61 =	vld [tilespmem:s31+$0x10]  }
0x33: {  	v13 =	vld [tilespmem:s31+$0x20];
	s29 =	spop (v2sf)  }
0x34: {  	v14 =	vld [tilespmem:s31+$0x30];
	s25 =	sadd.s32 s23, s29;
	s30 =	spop (v2sf)  }
0x35: {  	v15 =	vld [tilespmem:s31+$0x40];
	s26 =	sadd.s32 s25, s30;
	s28 =	spop (v2sf)  }
0x36: {  	v16 =	vld [tilespmem:s31+$0x50];
	v10 =	vshll.u32 v60, $0x9;
	s28 =	sadd.s32 s26, s28;
	s29 =	spop (v2sf)  }
0x37: {  	v62 =	vld [tilespmem:s31+$0x60];
	v12 =	vshll.u32 v61, $0x9;
	v2 =	vor.u32 v2, v10;
	s29 =	sadd.s32 s28, s29;
	s30 =	spop (v2sf)  }
0x38: {  	v59 =	vld [tilespmem:s31+$0x70];
	v63 =	vshll.u32 v13, $0x9;
	v3 =	vor.u32 v3, v12;
	[tilespmem:s23+$0xFA00] =	vst.msk vm2, v2;
	s24 =	sadd.s32 s29, s30;
	s31 =	spop (v2sf)  }
0x39: {  	v2 =	vor.u32 v4, v63;
	v4 =	vshll.u32 v14, $0x9;
	[tilespmem:s25+$0xFA00] =	vst.msk vm3, v3;
	s30 =	sadd.s32 s24, s31;
	s31 =	spop (v2sf)  }
0x3a: {  	v3 =	vor.u32 v5, v4;
	v4 =	vshll.u32 v15, $0x9;
	[tilespmem:s26+$0xFA00] =	vst.msk vm0, v2;
	s25 =	sadd.s32 s30, s31;
	s31 =	spop (v2sf)  }
0x3b: {  	v2 =	vor.u32 v6, v4;
	[tilespmem:s28+$0xFA00] =	vst.msk vm1, v3;
	v3 =	vshll.u32 v16, $0x9;
	s23 =	sadd.s32 s25, s31  }
0x3c: {  	[tilespmem:s29+$0xFA00] =	vst.msk vm6, v2;
	v2 =	vor.u32 v7, v3;
	v3 =	vshll.u32 v62, $0x9;
	p1 =	slt.s32 s23, $0x400  }
0x3d: {  	v3 =	vor.u32 v54, v3;
	[tilespmem:s24+$0xFA00] =	vst.msk vm4, v2;
	v2 =	vshll.u32 v59, $0x9;
	s26 =	sshll.u32 @!p1 s21, $0xD  }
0x3e: {  	[tilespmem:s30+$0xFA00] =	vst.msk vm7, v3;
	v2 =	vor.u32 v56, v2;
	s24 =	sadd.s32 @!p1 s6, s26  }
0x3f: {  	[tilespmem:s25+$0xFA00] =	vst.msk vm5, v2;
	s28 =	simm.s32 @!p1 $0xFA00;
	s25 =	simm.s32 @!p1 $0x400;
	s24 =	sshrl.u32 @!p1 s24, $0x3  }
0x40: {  	s29 =	simm.s32 @!p1 $0x3;
	s26 =	simm.s32 @!p1 $0x80;
	s24 =	sadd.s32 @!p1 s4, s24  }
0x41: {  	[hbm4b:s24+s26] =	stream.strided.scatter @!p1 [tilespmem:s28], [sflag:$0x3], $0x400, s25, s26, $0x38;
	[tilespmem:$0xFF80] =	vst v63  }
0x42: {  	_ =	swait.ge @!p1 [sflag:s29], $0x400  }
0x43: {  	[sflag:s29] =	ssyncset.done @!p1 $0x0  }
0x44: {  	[sflag:s29] =	ssyncadd.s32 @!p1 $0xFFFFFC00  }
0x45: {  	p0 =	sgt.s32 s23, $0x3FF;
	s25 =	simm.s32 $0x1;
	v2 =	vld @!p1 [tilespmem:$0xFE80]  }
0x46: {  	s26 =	sadd.s32 $0xFFFFFC00, s23;
	s25 =	simm.s32 @!p0 $0x0;
	v3 =	vld @!p1 [tilespmem:$0xFE70]  }
0x47: {  	s24 =	simm.s32 $0x200;
	s23 =	smov.u32 @p0 s26;
	s21 =	sadd.s32 s25, s21;
	v4 =	vld @!p1 [tilespmem:$0xFE20]  }
.LBB2_3:
0x48: {  	v5 =	vld @!p1 [tilespmem:$0xFE30];
	s25 =	smov.u32 s24;
	s24 =	sadd.s32 $0x200, s24  }
0x49: {  	p0 =	sne.s32 s24, $0xFA00;
	v6 =	vld @!p1 [tilespmem:$0xFE00]  }
0x4a: {  	v7 =	vld @!p1 [tilespmem:$0xFE50];
	[tilespmem:$0xFA80] =	vst @!p1 v2  }
0x4b: {  	v2 =	vld @!p1 [tilespmem:$0xFE60];
	[tilespmem:$0xFA70] =	vst @!p1 v3  }
0x4c: {  	[tilespmem:$0xFA20] =	vst @!p1 v4;
	v3 =	vld @!p1 [tilespmem:$0xFE40]  }
0x4d: {  	v4 =	vld @!p1 [tilespmem:$0xFE10];
	[tilespmem:$0xFA30] =	vst @!p1 v5  }
0x4e: {  	[tilespmem:$0xFA00] =	vst @!p1 v6  }
0x4f: {  	[tilespmem:$0xFA50] =	vst @!p1 v7  }
0x50: {  	[tilespmem:$0xFA60] =	vst @!p1 v2  }
0x51: {  	[tilespmem:$0xFA40] =	vst @!p1 v3  }
0x52: {  	s25 =	sshra.s32 s25, $0x2;
	[tilespmem:$0xFA10] =	vst @!p1 v4  }
0x53: {  	v2 =	vld [tilespmem:s25+$0x3E80]  }
0x54: {  	v3 =	vld [tilespmem:s25+$0x3E90]  }
0x55: {  	v4 =	vld [tilespmem:s25+$0x3EA0]  }
0x56: {  	v5 =	vld [tilespmem:s25+$0x3EB0]  }
0x57: {  	v6 =	vld [tilespmem:s25+$0x3EC0]  }
0x58: {  	v2 =	vsub.s32 v2, v0  }
0x59: {  	vm6 =	vlt.u32 v2, $0x140;
	v3 =	vsub.s32 v3, v0;
	v7 =	vld [tilespmem:s25+$0x3ED0]  }
0x5a: {  	v8 =	vmpcnt.ones.xlane vm6;
	vm4 =	vlt.u32 v3, $0x140;
	v4 =	vsub.s32 v4, v0;
	v9 =	vld [tilespmem:s25+$0x3EE0]  }
0x5b: {  	v10 =	vmpcnt.ones.xlane vm4;
	vm3 =	vlt.u32 v4, $0x140;
	v5 =	vsub.s32 v5, v0  }
0x5c: {  	v11 =	vmpcnt.ones.xlane vm3;
	vm0 =	vlt.u32 v5, $0x140;
	v12 =	vld [tilespmem:s25+$0x3EF0];
	(v2sf) =	vpush v8, $0x0  }
0x5d: {  	v6 =	vsub.s32 v6, v0;
	v8 =	vmpcnt.ones.xlane vm0;
	(v2sf) =	vpush v10, $0x0  }
0x5e: {  	vm7 =	vlt.u32 v6, $0x140;
	v7 =	vsub.s32 v7, v0;
	(v2sf) =	vpush v11, $0x0  }
0x5f: {  	v10 =	vmpcnt.ones.xlane vm7;
	vm1 =	vlt.u32 v7, $0x140;
	(v2sf) =	vpush v8, $0x0  }
0x60: {  	v9 =	vsub.s32 v9, v0;
	v8 =	vmpcnt.ones.xlane vm1  }
0x61: {  	vm5 =	vlt.u32 v9, $0x140;
	v11 =	vsub.s32 v12, v0;
	(v2sf) =	vpush v10, $0x0  }
0x62: {  	v10 =	vmpcnt.ones.xlane vm5;
	vm2 =	vlt.u32 v11, $0x140;
	(v2sf) =	vpush v8, $0x0  }
0x63: {  	v8 =	vmpcnt.ones.xlane vm2  }
0x64: {  	v12 =	vld [tilespmem:s25+$0x70];
	(v2sf) =	vpush v10, $0x0  }
0x65: {  	v10 =	vld [tilespmem:s25+$0x0];
	(v2sf) =	vpush v8, $0x0  }
0x66: {  	v8 =	vld [tilespmem:s25+$0x10]  }
0x67: {  	v13 =	vld [tilespmem:s25+$0x20]  }
0x68: {  	v14 =	vld [tilespmem:s25+$0x30]  }
0x69: {  	v15 =	vld [tilespmem:s25+$0x40]  }
0x6a: {  	v10 =	vshll.u32 v10, $0x9;
	v16 =	vld [tilespmem:s25+$0x60]  }
0x6b: {  	v2 =	vor.u32 v2, v10;
	v8 =	vshll.u32 v8, $0x9;
	v10 =	vld [tilespmem:s25+$0x50];
	s25 =	spop (v2sf)  }
0x6c: {  	v3 =	vor.u32 v3, v8;
	v8 =	vshll.u32 v13, $0x9;
	[tilespmem:s23+$0xFA00] =	vst.msk vm6, v2;
	s23 =	sadd.s32 s23, s25;
	s25 =	spop (v2sf)  }
0x6d: {  	v2 =	vor.u32 v4, v8;
	v4 =	vshll.u32 v14, $0x9;
	[tilespmem:s23+$0xFA00] =	vst.msk vm4, v3;
	s23 =	sadd.s32 s23, s25;
	s25 =	spop (v2sf)  }
0x6e: {  	v3 =	vor.u32 v5, v4;
	v4 =	vshll.u32 v15, $0x9;
	[tilespmem:s23+$0xFA00] =	vst.msk vm3, v2;
	s23 =	sadd.s32 s23, s25;
	s25 =	spop (v2sf)  }
0x6f: {  	v2 =	vor.u32 v6, v4;
	[tilespmem:s23+$0xFA00] =	vst.msk vm0, v3;
	s23 =	sadd.s32 s23, s25  }
0x70: {  	v3 =	vshll.u32 v10, $0x9;
	[tilespmem:s23+$0xFA00] =	vst.msk vm7, v2;
	s25 =	spop (v2sf)  }
0x71: {  	v2 =	vor.u32 v7, v3;
	v3 =	vshll.u32 v16, $0x9;
	s23 =	sadd.s32 s23, s25;
	s25 =	spop (v2sf)  }
0x72: {  	v3 =	vor.u32 v9, v3;
	[tilespmem:s23+$0xFA00] =	vst.msk vm1, v2;
	s23 =	sadd.s32 s23, s25  }
0x73: {  	v2 =	vshll.u32 v12, $0x9;
	[tilespmem:s23+$0xFA00] =	vst.msk vm5, v3;
	s25 =	spop (v2sf)  }
0x74: {  	v2 =	vor.u32 v11, v2;
	s23 =	sadd.s32 s23, s25;
	s25 =	spop (v2sf)  }
0x75: {  	[tilespmem:s23+$0xFA00] =	vst.msk vm2, v2;
	s23 =	sadd.s32 s23, s25  }
0x76: {  	p2 =	sgt.s32 s23, $0x3FF;
	s25 =	sadd.s32 $0xFFFFFC00, s23  }
0x77: {  	p1 =	slt.s32 s23, $0x400;
	s23 =	smov.u32 @p2 s25;
	s25 =	simm.s32 $0x1  }
0x78: {  	s26 =	sshll.u32 @!p1 s21, $0xD;
	s25 =	simm.s32 @!p2 $0x0  }
0x79: {  	s26 =	sadd.s32 @!p1 s6, s26;
	s21 =	sadd.s32 s25, s21  }
0x7a: {  	s28 =	simm.s32 @!p1 $0xFA00;
	s25 =	sshrl.u32 @!p1 s26, $0x3;
	s26 =	simm.s32 @!p1 $0x80  }
0x7b: {  	s29 =	simm.s32 @!p1 $0x400;
	s30 =	simm.s32 @!p1 $0x3;
	s25 =	sadd.s32 @!p1 s4, s25  }
0x7c: {  	[hbm4b:s25+s26] =	stream.strided.scatter @!p1 [tilespmem:s28], [sflag:$0x3], $0x400, s29, s26, $0x38;
	[tilespmem:$0xFF80] =	vst v63  }
0x7d: {  	_ =	swait.ge @!p1 [sflag:s30], $0x400  }
.Ltmp0:
0x7e: {  	[sflag:s30] =	ssyncset.done @!p1 $0x0;
	(pc) =	sbr.rel @p0 .LBB2_3-.Ltmp0, $4  }
0x7f: {  	[sflag:s30] =	ssyncadd.s32 @!p1 $0xFFFFFC00  }
0x80: {  	v2 =	vld @!p1 [tilespmem:$0xFE80]  }
0x81: {  	v3 =	vld @!p1 [tilespmem:$0xFE70]  }
0x82: {  	v4 =	vld @!p1 [tilespmem:$0xFE20]  }
0x83: {  	v5 =	vld @!p1 [tilespmem:$0xFE30]  }
0x84: {  	v6 =	vld @!p1 [tilespmem:$0xFE00]  }
0x85: {  	v7 =	vld @!p1 [tilespmem:$0xFE50];
	[tilespmem:$0xFA80] =	vst @!p1 v2  }
0x86: {  	v2 =	vld @!p1 [tilespmem:$0xFE60];
	[tilespmem:$0xFA70] =	vst @!p1 v3  }
0x87: {  	v3 =	vld @!p1 [tilespmem:$0xFE40];
	[tilespmem:$0xFA20] =	vst @!p1 v4  }
0x88: {  	v4 =	vld @!p1 [tilespmem:$0xFE10];
	[tilespmem:$0xFA30] =	vst @!p1 v5  }
0x89: {  	[tilespmem:$0xFA00] =	vst @!p1 v6  }
0x8a: {  	[tilespmem:$0xFA50] =	vst @!p1 v7  }
0x8b: {  	[tilespmem:$0xFA60] =	vst @!p1 v2  }
0x8c: {  	[tilespmem:$0xFA40] =	vst @!p1 v3  }
0x8d: {  	[tilespmem:$0xFA10] =	vst @!p1 v4  }
0x8e: {  	_ =	swait.ge [sflag:s13], $0x3E80  }
0x8f: {  	[sflag:s13] =	ssyncset.done $0x0  }
0x90: {  	p0 =	seq.s32 s20, $0x9;
	[sflag:s13] =	ssyncadd.s32 $0xFFFFC180  }
0x91: {  	s22 =	sshrl.u32 @!p0 s22, $0x3;
	_ =	swait.ge [sflag:s13], $0x3E80  }
0x92: {  	s22 =	sadd.s32 @!p0 $0xFA0, s22;
	[sflag:s13] =	ssyncset.done $0x0  }
0x93: {  	s25 =	simm.s32 @!p0 $0x0;
	s24 =	sadd.s32 @!p0 s1, s22;
	[sflag:s13] =	ssyncadd.s32 $0xFFFFC180  }
0x94: {  	[tilespmem:s25], [sflag:$0x1] =	stream.linear.gather @!p0 [hbm4b:s24+s25], $0x3E80, $0x38;
	[tilespmem:$0xFF80] =	vst v63  }
0x95: {  	s31 =	simm.s32 $0x0;
	s22 =	sadd.s32 @!p0 s2, s22;
	s24 =	simm.s32 @!p0 $0x3E80  }
0x96: {  	[tilespmem:s24], [sflag:$0x1] =	stream.linear.gather @!p0 [hbm4b:s22+s25], $0x3E80, $0x38;
	[tilespmem:$0xFF80] =	vst v63  }
0x97: {  	v2 =	vld [tilespmem:s31+$0xBB80]  }
0x98: {  	v3 =	vld [tilespmem:s31+$0xBB90]  }
0x99: {  	v4 =	vld [tilespmem:s31+$0xBBA0]  }
0x9a: {  	v5 =	vld [tilespmem:s31+$0xBBB0]  }
0x9b: {  	v6 =	vld [tilespmem:s31+$0xBBC0]  }
0x9c: {  	v7 =	vld [tilespmem:s31+$0xBBD0]  }
0x9d: {  	v9 =	vld [tilespmem:s31+$0xBBE0]  }
0x9e: {  	v12 =	vld [tilespmem:s31+$0xBBF0]  }
0x9f: {  	v2 =	vsub.s32 v2, v0  }
0xa0: {  	v3 =	vsub.s32 v3, v0;
	v4 =	vsub.s32 v4, v0;
	v5 =	vsub.s32 v5, v0  }
0xa1: {  	v6 =	vsub.s32 v6, v0;
	v7 =	vsub.s32 v7, v0;
	vm2 =	vlt.u32 v2, $0x140  }
0xa2: {  	v54 =	vsub.s32 v9, v0;
	vm3 =	vlt.u32 v3, $0x140;
	v8 =	vmpcnt.ones.xlane vm2  }
0xa3: {  	v56 =	vsub.s32 v12, v0;
	vm0 =	vlt.u32 v4, $0x140;
	v10 =	vmpcnt.ones.xlane vm3  }
0xa4: {  	vm1 =	vlt.u32 v5, $0x140;
	v11 =	vmpcnt.ones.xlane vm0;
	(v2sf) =	vpush v8, $0x0  }
0xa5: {  	vm6 =	vlt.u32 v6, $0x140;
	v52 =	vmpcnt.ones.xlane vm1;
	(v2sf) =	vpush v10, $0x0  }
0xa6: {  	vm4 =	vlt.u32 v7, $0x140;
	v53 =	vmpcnt.ones.xlane vm6;
	(v2sf) =	vpush v11, $0x0  }
0xa7: {  	vm7 =	vlt.u32 v54, $0x140;
	v55 =	vmpcnt.ones.xlane vm4;
	(v2sf) =	vpush v52, $0x0  }
0xa8: {  	vm5 =	vlt.u32 v56, $0x140;
	v57 =	vmpcnt.ones.xlane vm7;
	(v2sf) =	vpush v53, $0x0  }
0xa9: {  	v58 =	vmpcnt.ones.xlane vm5;
	(v2sf) =	vpush v55, $0x0  }
0xaa: {  	(v2sf) =	vpush v57, $0x0  }
0xab: {  	(v2sf) =	vpush v58, $0x0;
	_ =	sdelay $0x6  }
0xac: {  	v60 =	vld [tilespmem:s31+$0x7D00]  }
0xad: {  	v61 =	vld [tilespmem:s31+$0x7D10];
	s28 =	spop (v2sf)  }
0xae: {  	v13 =	vld [tilespmem:s31+$0x7D20];
	s24 =	sadd.s32 s23, s28;
	s29 =	spop (v2sf)  }
0xaf: {  	v14 =	vld [tilespmem:s31+$0x7D30];
	s25 =	sadd.s32 s24, s29;
	s26 =	spop (v2sf)  }
0xb0: {  	v15 =	vld [tilespmem:s31+$0x7D40];
	s26 =	sadd.s32 s25, s26;
	s28 =	spop (v2sf)  }
0xb1: {  	v16 =	vld [tilespmem:s31+$0x7D50];
	v10 =	vshll.u32 v60, $0x9;
	s28 =	sadd.s32 s26, s28;
	s29 =	spop (v2sf)  }
0xb2: {  	v62 =	vld [tilespmem:s31+$0x7D60];
	v12 =	vshll.u32 v61, $0x9;
	v2 =	vor.u32 v2, v10;
	s22 =	sadd.s32 s28, s29;
	s30 =	spop (v2sf)  }
0xb3: {  	v59 =	vld [tilespmem:s31+$0x7D70];
	v63 =	vshll.u32 v13, $0x9;
	v3 =	vor.u32 v3, v12;
	[tilespmem:s23+$0xFA00] =	vst.msk vm2, v2;
	s29 =	sadd.s32 s22, s30;
	s31 =	spop (v2sf)  }
0xb4: {  	v2 =	vor.u32 v4, v63;
	v4 =	vshll.u32 v14, $0x9;
	[tilespmem:s24+$0xFA00] =	vst.msk vm3, v3;
	s30 =	sadd.s32 s29, s31;
	s31 =	spop (v2sf)  }
0xb5: {  	v3 =	vor.u32 v5, v4;
	v4 =	vshll.u32 v15, $0x9;
	[tilespmem:s25+$0xFA00] =	vst.msk vm0, v2;
	s23 =	sadd.s32 s30, s31  }
0xb6: {  	v2 =	vor.u32 v6, v4;
	[tilespmem:s26+$0xFA00] =	vst.msk vm1, v3;
	v3 =	vshll.u32 v16, $0x9;
	p1 =	slt.s32 s23, $0x400  }
0xb7: {  	[tilespmem:s28+$0xFA00] =	vst.msk vm6, v2;
	v2 =	vor.u32 v7, v3;
	v3 =	vshll.u32 v62, $0x9;
	s25 =	sshll.u32 @!p1 s21, $0xD  }
0xb8: {  	v3 =	vor.u32 v54, v3;
	[tilespmem:s22+$0xFA00] =	vst.msk vm4, v2;
	v2 =	vshll.u32 v59, $0x9;
	s22 =	sadd.s32 @!p1 s6, s25  }
0xb9: {  	[tilespmem:s29+$0xFA00] =	vst.msk vm7, v3;
	v2 =	vor.u32 v56, v2;
	s26 =	simm.s32 @!p1 $0xFA00;
	s24 =	simm.s32 @!p1 $0x400;
	s22 =	sshrl.u32 @!p1 s22, $0x3  }
0xba: {  	[tilespmem:s30+$0xFA00] =	vst.msk vm5, v2;
	s28 =	simm.s32 @!p1 $0x3;
	s25 =	simm.s32 @!p1 $0x80;
	s22 =	sadd.s32 @!p1 s4, s22  }
0xbb: {  	[hbm4b:s22+s25] =	stream.strided.scatter @!p1 [tilespmem:s26], [sflag:$0x3], $0x400, s24, s25, $0x38;
	[tilespmem:$0xFF80] =	vst v63  }
0xbc: {  	_ =	swait.ge @!p1 [sflag:s28], $0x400  }
0xbd: {  	[sflag:s28] =	ssyncset.done @!p1 $0x0  }
0xbe: {  	[sflag:s28] =	ssyncadd.s32 @!p1 $0xFFFFFC00  }
0xbf: {  	p0 =	sgt.s32 s23, $0x3FF;
	s24 =	simm.s32 $0x1;
	v2 =	vld @!p1 [tilespmem:$0xFE80]  }
0xc0: {  	s25 =	sadd.s32 $0xFFFFFC00, s23;
	s24 =	simm.s32 @!p0 $0x0;
	v3 =	vld @!p1 [tilespmem:$0xFE70]  }
0xc1: {  	s22 =	simm.s32 $0x200;
	s23 =	smov.u32 @p0 s25;
	s21 =	sadd.s32 s24, s21;
	v4 =	vld @!p1 [tilespmem:$0xFE20]  }
.LBB2_5:
0xc2: {  	v5 =	vld @!p1 [tilespmem:$0xFE30];
	s24 =	smov.u32 s22;
	s22 =	sadd.s32 $0x200, s22  }
0xc3: {  	p0 =	sne.s32 s22, $0xFA00;
	v6 =	vld @!p1 [tilespmem:$0xFE00]  }
0xc4: {  	v7 =	vld @!p1 [tilespmem:$0xFE50];
	[tilespmem:$0xFA80] =	vst @!p1 v2  }
0xc5: {  	v2 =	vld @!p1 [tilespmem:$0xFE60];
	[tilespmem:$0xFA70] =	vst @!p1 v3  }
0xc6: {  	[tilespmem:$0xFA20] =	vst @!p1 v4;
	v3 =	vld @!p1 [tilespmem:$0xFE40]  }
0xc7: {  	v4 =	vld @!p1 [tilespmem:$0xFE10];
	[tilespmem:$0xFA30] =	vst @!p1 v5  }
0xc8: {  	[tilespmem:$0xFA00] =	vst @!p1 v6  }
0xc9: {  	[tilespmem:$0xFA50] =	vst @!p1 v7  }
0xca: {  	[tilespmem:$0xFA60] =	vst @!p1 v2  }
0xcb: {  	[tilespmem:$0xFA40] =	vst @!p1 v3  }
0xcc: {  	s24 =	sshra.s32 s24, $0x2;
	[tilespmem:$0xFA10] =	vst @!p1 v4  }
0xcd: {  	v2 =	vld [tilespmem:s24+$0xBB80]  }
0xce: {  	v3 =	vld [tilespmem:s24+$0xBB90]  }
0xcf: {  	v4 =	vld [tilespmem:s24+$0xBBA0]  }
0xd0: {  	v5 =	vld [tilespmem:s24+$0xBBB0]  }
0xd1: {  	v6 =	vld [tilespmem:s24+$0xBBC0]  }
0xd2: {  	v2 =	vsub.s32 v2, v0  }
0xd3: {  	vm6 =	vlt.u32 v2, $0x140;
	v3 =	vsub.s32 v3, v0;
	v7 =	vld [tilespmem:s24+$0xBBD0]  }
0xd4: {  	v8 =	vmpcnt.ones.xlane vm6;
	vm4 =	vlt.u32 v3, $0x140;
	v4 =	vsub.s32 v4, v0;
	v9 =	vld [tilespmem:s24+$0xBBE0]  }
0xd5: {  	v10 =	vmpcnt.ones.xlane vm4;
	vm3 =	vlt.u32 v4, $0x140;
	v5 =	vsub.s32 v5, v0  }
0xd6: {  	v11 =	vmpcnt.ones.xlane vm3;
	vm0 =	vlt.u32 v5, $0x140;
	v12 =	vld [tilespmem:s24+$0xBBF0];
	(v2sf) =	vpush v8, $0x0  }
0xd7: {  	v6 =	vsub.s32 v6, v0;
	v8 =	vmpcnt.ones.xlane vm0;
	(v2sf) =	vpush v10, $0x0  }
0xd8: {  	vm7 =	vlt.u32 v6, $0x140;
	v7 =	vsub.s32 v7, v0;
	(v2sf) =	vpush v11, $0x0  }
0xd9: {  	v10 =	vmpcnt.ones.xlane vm7;
	vm1 =	vlt.u32 v7, $0x140;
	(v2sf) =	vpush v8, $0x0  }
0xda: {  	v9 =	vsub.s32 v9, v0;
	v8 =	vmpcnt.ones.xlane vm1  }
0xdb: {  	vm5 =	vlt.u32 v9, $0x140;
	v11 =	vsub.s32 v12, v0;
	(v2sf) =	vpush v10, $0x0  }
0xdc: {  	v10 =	vmpcnt.ones.xlane vm5;
	vm2 =	vlt.u32 v11, $0x140;
	(v2sf) =	vpush v8, $0x0  }
0xdd: {  	v8 =	vmpcnt.ones.xlane vm2  }
0xde: {  	v12 =	vld [tilespmem:s24+$0x7D70];
	(v2sf) =	vpush v10, $0x0  }
0xdf: {  	v10 =	vld [tilespmem:s24+$0x7D00];
	(v2sf) =	vpush v8, $0x0  }
0xe0: {  	v8 =	vld [tilespmem:s24+$0x7D10]  }
0xe1: {  	v13 =	vld [tilespmem:s24+$0x7D20]  }
0xe2: {  	v14 =	vld [tilespmem:s24+$0x7D30]  }
0xe3: {  	v15 =	vld [tilespmem:s24+$0x7D40]  }
0xe4: {  	v10 =	vshll.u32 v10, $0x9;
	v16 =	vld [tilespmem:s24+$0x7D60]  }
0xe5: {  	v2 =	vor.u32 v2, v10;
	v8 =	vshll.u32 v8, $0x9;
	v10 =	vld [tilespmem:s24+$0x7D50];
	s24 =	spop (v2sf)  }
0xe6: {  	v3 =	vor.u32 v3, v8;
	v8 =	vshll.u32 v13, $0x9;
	[tilespmem:s23+$0xFA00] =	vst.msk vm6, v2;
	s23 =	sadd.s32 s23, s24;
	s24 =	spop (v2sf)  }
0xe7: {  	v2 =	vor.u32 v4, v8;
	v4 =	vshll.u32 v14, $0x9;
	[tilespmem:s23+$0xFA00] =	vst.msk vm4, v3;
	s23 =	sadd.s32 s23, s24;
	s24 =	spop (v2sf)  }
0xe8: {  	v3 =	vor.u32 v5, v4;
	v4 =	vshll.u32 v15, $0x9;
	[tilespmem:s23+$0xFA00] =	vst.msk vm3, v2;
	s23 =	sadd.s32 s23, s24;
	s24 =	spop (v2sf)  }
0xe9: {  	v2 =	vor.u32 v6, v4;
	[tilespmem:s23+$0xFA00] =	vst.msk vm0, v3;
	s23 =	sadd.s32 s23, s24  }
0xea: {  	v3 =	vshll.u32 v10, $0x9;
	[tilespmem:s23+$0xFA00] =	vst.msk vm7, v2;
	s24 =	spop (v2sf)  }
0xeb: {  	v2 =	vor.u32 v7, v3;
	v3 =	vshll.u32 v16, $0x9;
	s23 =	sadd.s32 s23, s24;
	s24 =	spop (v2sf)  }
0xec: {  	v3 =	vor.u32 v9, v3;
	[tilespmem:s23+$0xFA00] =	vst.msk vm1, v2;
	s23 =	sadd.s32 s23, s24  }
0xed: {  	v2 =	vshll.u32 v12, $0x9;
	[tilespmem:s23+$0xFA00] =	vst.msk vm5, v3;
	s24 =	spop (v2sf)  }
0xee: {  	v2 =	vor.u32 v11, v2;
	s23 =	sadd.s32 s23, s24;
	s24 =	spop (v2sf)  }
0xef: {  	[tilespmem:s23+$0xFA00] =	vst.msk vm2, v2;
	s23 =	sadd.s32 s23, s24  }
0xf0: {  	p2 =	sgt.s32 s23, $0x3FF;
	s24 =	sadd.s32 $0xFFFFFC00, s23  }
0xf1: {  	p1 =	slt.s32 s23, $0x400;
	s23 =	smov.u32 @p2 s24;
	s24 =	simm.s32 $0x1  }
0xf2: {  	s25 =	sshll.u32 @!p1 s21, $0xD;
	s24 =	simm.s32 @!p2 $0x0  }
0xf3: {  	s25 =	sadd.s32 @!p1 s6, s25;
	s21 =	sadd.s32 s24, s21  }
0xf4: {  	s26 =	simm.s32 @!p1 $0xFA00;
	s24 =	sshrl.u32 @!p1 s25, $0x3;
	s25 =	simm.s32 @!p1 $0x80  }
0xf5: {  	s28 =	simm.s32 @!p1 $0x400;
	s29 =	simm.s32 @!p1 $0x3;
	s24 =	sadd.s32 @!p1 s4, s24  }
0xf6: {  	[hbm4b:s24+s25] =	stream.strided.scatter @!p1 [tilespmem:s26], [sflag:$0x3], $0x400, s28, s25, $0x38;
	[tilespmem:$0xFF80] =	vst v63  }
0xf7: {  	_ =	swait.ge @!p1 [sflag:s29], $0x400  }
.Ltmp1:
0xf8: {  	[sflag:s29] =	ssyncset.done @!p1 $0x0;
	(pc) =	sbr.rel @p0 .LBB2_5-.Ltmp1, $4  }
0xf9: {  	[sflag:s29] =	ssyncadd.s32 @!p1 $0xFFFFFC00  }
0xfa: {  	v2 =	vld @!p1 [tilespmem:$0xFE80]  }
0xfb: {  	v3 =	vld @!p1 [tilespmem:$0xFE70]  }
0xfc: {  	v4 =	vld @!p1 [tilespmem:$0xFE20]  }
0xfd: {  	v5 =	vld @!p1 [tilespmem:$0xFE30]  }
0xfe: {  	v6 =	vld @!p1 [tilespmem:$0xFE00]  }
0xff: {  	v7 =	vld @!p1 [tilespmem:$0xFE50];
	[tilespmem:$0xFA80] =	vst @!p1 v2  }
0x100: {  	v2 =	vld @!p1 [tilespmem:$0xFE60];
	[tilespmem:$0xFA70] =	vst @!p1 v3  }
0x101: {  	s20 =	sadd.s32 $0x1, s20;
	v3 =	vld @!p1 [tilespmem:$0xFE40];
	[tilespmem:$0xFA20] =	vst @!p1 v4  }
0x102: {  	p0 =	seq.s32 s20, $0xA;
	v4 =	vld @!p1 [tilespmem:$0xFE10];
	[tilespmem:$0xFA30] =	vst @!p1 v5  }
.Ltmp2:
0x103: {  	[tilespmem:$0xFA00] =	vst @!p1 v6;
	(pc) =	sbr.rel @!p0 .LBB2_2-.Ltmp2, $4  }
0x104: {  	[tilespmem:$0xFA50] =	vst @!p1 v7  }
0x105: {  	[tilespmem:$0xFA60] =	vst @!p1 v2  }
0x106: {  	[tilespmem:$0xFA40] =	vst @!p1 v3  }
0x107: {  	[tilespmem:$0xFA10] =	vst @!p1 v4  }
0x108: {  	s20 =	simm.s32 $0xFA00  }
0x109: {  	v2 =	vmov s23;
	s22 =	simm.s32 $0x0;
	s24 =	simm.s32 $0x10;
	v3 =	vld [tilespmem:s20+$0x0]  }
.LBB2_8:
0x10a: {  	p0 =	sne.s32 s24, $0x490;
	_ =	sdelay $0x1  }
.Ltmp3:
0x10b: {  	v4 =	vor.u32 s22, v1;
	s22 =	smov.u32 s24;
	(pc) =	sbr.rel @p0 .LBB2_8-.Ltmp3, $4  }
0x10c: {  	vm0 =	vlt.s32 v4, v2  }
0x10d: {  	v3 =	vnsel vm0, $0x1FF, v3  }
0x10e: {  	[tilespmem:s20+$0x0] =	vst v3;
	s20 =	sadd.s32 $0x10, s20  }
0x10f: {  	s24 =	sadd.s32 $0x10, s24;
	v3 =	vld [tilespmem:s20+$0x0]  }
0x110: {  	_ =	sdelay $0x1  }
0x111: {  	v4 =	vor.u32 s22, v1;
	s29 =	sshll.u32 s21, $0xD  }
0x112: {  	vm0 =	vlt.s32 v4, v2;
	s22 =	sadd.s32 s6, s29  }
0x113: {  	s22 =	sshrl.u32 s22, $0x3;
	v2 =	vnsel vm0, $0x1FF, v3  }
0x114: {  	s30 =	sadd.s32 s4, s22;
	[tilespmem:s20+$0x0] =	vst v2  }
0x115: {  	[hbm4b:s30+s14] =	stream.strided.scatter [tilespmem:s16], [sflag:$0x3], $0x400, s15, s14, $0x38;
	[tilespmem:$0xFF80] =	vst v63  }
0x116: {  	s31 =	sshll.u32 s21, $0xA;
	_ =	swait.ge [sflag:s17], $0x400  }
0x117: {  	s19 =	sadd.s32 $0x1, s19;
	s20 =	sadd.s32 s23, s31;
	[sflag:s17] =	ssyncset.done $0x0  }
0x118: {  	p0 =	sne.s32 s19, s8;
	v2 =	vmov s20;
	[sflag:s17] =	ssyncadd.s32 $0xFFFFFC00  }
.Ltmp4:
0x119: {  	[tilespmem:$0xFF00] =	vst v2;
	(pc) =	sbr.rel @p0 .LBB2_1-.Ltmp4, $4  }
0x11a: {  	[hbm4b:s7+s5] =	stream.linear.scatter [tilespmem:s18], [sflag:$0x3], $0x80, $0x38;
	[tilespmem:$0xFF80] =	vst v63  }
0x11b: {  	_ =	swait.ge [sflag:s17], $0x80  }
0x11c: {  	[sflag:s17] =	ssyncset.done $0x0  }
0x11d: {  	[sflag:s17] =	ssyncadd.s32 $0xFFFFFF80  }
0x11e: {  	_ =	sfence.sel $0x180000  }
0x11f: {  	[bflag:$0x0] =	sbarrier.arrive $0xFFFF  }
0x120: {  	p0 =	sne.s32 s0, $0x0;
	_ =	strace $0x90000047  }
0x121: {  	s0 =	sadd.s32 @!p0 $0x100000, s3;
	[bflag:$0x2] =	sbarrier.arrive $0xFFFF  }
0x122: {  	[sflag:s0] =	ssyncadd.tile.s32 @!p0 $0x1;
	_ =	shalt  }
.Lfunc_end2:
_tile_overlayer_lowered:
.L_overlay_start_2:
0x123: {  	(tag) =	ssettag $0x2  }
0x124: {  	s0 =	rddreg [dreg:$0x0];
	s2 =	stileid.u32  }
0x125: {  	s1 =	rddreg [dreg:$0x1];
	p0 =	sne.s32 s2, $0x0  }
0x126: {  	s3 =	rddreg [dreg:$0x2];
	[bflag:$0x3] =	sbarrier.arrive $0xFFFF;
	s2 =	simm.s32 @!p0 $0x1C03  }
0x127: {  	[timem:s3], [sflag:s2] =	dma.local @!p0 [hbm:s0], s1  }
0x128: {  	s0 =	simm.s32 @!p0 $0x3  }
0x129: {  	_ =	swait.ge @!p0 [sflag:s0], s1  }
0x12a: {  	s1 =	ssub.s32 @!p0 $0x0, s1;
	[sflag:s0] =	ssyncset.done @!p0 $0x0  }
0x12b: {  	[sflag:s0] =	ssyncadd.s32 @!p0 s1  }
0x12c: {  	[bflag:$0x3] =	sbarrier.arrive $0xFFFF  }
0x12d: {  	_ =	shalt  }

</sc_bundles>
